<compile_context>
chip_gen: v7x
topology: tpu7x:2x2x1
jax: 0.10.2.dev20260603
libtpu: 0.0.44.dev20260713+nightly
codegen_flags: <defaults>
</compile_context>

<pallas_src>
import functools

import jax
import jax.numpy as jnp
from jax import lax
from jax.experimental import pallas as pl
from jax.experimental.pallas import tpu as pltpu
from jax.experimental.pallas import tpu_sc as plsc

NUM_HEADS = 16
SIDE = 256
TABLE_ROWS = 961
TPAD = 1024

_info = plsc.get_sparse_core_info()
NC, NS, L = _info.num_cores, _info.num_subcores, _info.num_lanes
NW = NC * NS
ROWS_PER_W = SIDE // NW


def _sc_body(table_hbm, idx_hbm, out_hbm, table_v, idx_v, out_v, sem_t, sem_i, sem_o):
    wid = lax.axis_index("s") * NC + lax.axis_index("c")
    r0 = wid * ROWS_PER_W
    ct = pltpu.async_copy(table_hbm, table_v, sem_t)
    ci = pltpu.async_copy(idx_hbm.at[pl.ds(r0, ROWS_PER_W), :], idx_v, sem_i)
    ct.wait()
    ci.wait()
    HHALF = NUM_HEADS // 2

    @plsc.parallel_loop(0, ROWS_PER_W * (SIDE // L), unroll=16)
    def body_lo(p):
        r = p >> 4
        j0 = (p & 15) << 4
        idx16 = idx_v[r, pl.ds(j0, L)]
        for h in range(HHALF):
            vals = plsc.load_gather(table_v.at[pl.ds(h * TPAD, TPAD)], [idx16])
            out_v[h, r, pl.ds(j0, L)] = vals

    co = pltpu.async_copy(
        out_v.at[pl.ds(0, HHALF)],
        out_hbm.at[0, pl.ds(0, HHALF), 0, pl.ds(r0, ROWS_PER_W), :],
        sem_o,
    )

    @plsc.parallel_loop(0, ROWS_PER_W * (SIDE // L), unroll=16)
    def body_hi(p):
        r = p >> 4
        j0 = (p & 15) << 4
        idx16 = idx_v[r, pl.ds(j0, L)]
        for h in range(HHALF, NUM_HEADS):
            vals = plsc.load_gather(table_v.at[pl.ds(h * TPAD, TPAD)], [idx16])
            out_v[h, r, pl.ds(j0, L)] = vals

    co.wait()
    pltpu.sync_copy(
        out_v.at[pl.ds(HHALF, HHALF)],
        out_hbm.at[0, pl.ds(HHALF, HHALF), 0, pl.ds(r0, ROWS_PER_W), :],
    )


_sc_gather = functools.partial(
    pl.kernel,
    mesh=plsc.VectorSubcoreMesh(core_axis_name="c", subcore_axis_name="s"),
    out_type=jax.ShapeDtypeStruct((1, NUM_HEADS, 1, SIDE, SIDE), jnp.float32),
    compiler_params=pltpu.CompilerParams(needs_layout_passes=False),
    scratch_types=[
        pltpu.VMEM((NUM_HEADS * TPAD,), jnp.float32),
        pltpu.VMEM((ROWS_PER_W, SIDE), jnp.int32),
        pltpu.VMEM((NUM_HEADS, ROWS_PER_W, SIDE), jnp.float32),
        pltpu.SemaphoreType.DMA,
        pltpu.SemaphoreType.DMA,
        pltpu.SemaphoreType.DMA,
    ],
)(_sc_body)


def kernel(relative_position_bias_table, relative_position_index):
    table_t = jnp.pad(relative_position_bias_table.T,
                      ((0, 0), (0, TPAD - TABLE_ROWS))).reshape(-1)
    idx = relative_position_index.astype(jnp.int32)
    return _sc_gather(table_t, idx)

# --- scband reference (transcript-rebuilt; emitter-appended) ---
"""Pipeline reference for scband-swin-pos-embed-rel-28982439313894 (READ-ONLY COPY).

The authoritative reference and input builder live on the scoring server;
editing this copy changes nothing except your own understanding.
"""

import jax, jax.numpy as jnp
import numpy as np

BLOCK_SIZE = 16
WIN_SIZE = 16
NUM_HEADS = 16


def _get_relative_position_index(win_h, win_w, block_h, block_w):
    coords = np.stack(np.meshgrid(np.arange(win_h), np.arange(win_w), indexing='ij'))
    coords_flatten = coords.reshape(2, -1)
    relative_coords = coords_flatten[:, :, None] - coords_flatten[:, None, :]
    relative_coords = relative_coords.transpose(1, 2, 0).copy()
    relative_coords[:, :, 0] += win_h - 1
    relative_coords[:, :, 1] += win_w - 1
    relative_coords[:, :, 0] *= 2 * win_w - 1
    relative_coords = relative_coords.sum(-1)
    _sh, _sw = ((win_h - block_h) // 2, (win_w - block_w) // 2)
    relative_coords = relative_coords.reshape(win_h, win_w, -1)
    relative_coords = relative_coords[_sh:_sh + block_h, _sw:_sw + block_w]
    relative_coords = relative_coords.reshape(block_h * block_w, win_h * win_w)
    return relative_coords


def setup_inputs(seed: int = 0) -> dict:
    key = jax.random.key(seed)
    table_rows = (2 * WIN_SIZE - 1) * (2 * WIN_SIZE - 1)
    relative_position_bias_table = jax.random.normal(key, (table_rows, NUM_HEADS), dtype=jnp.float32) * 0.02
    relative_position_index = jnp.asarray(
        _get_relative_position_index(WIN_SIZE, WIN_SIZE, BLOCK_SIZE, BLOCK_SIZE), dtype=jnp.int64
    )
    return {
        'relative_position_bias_table': relative_position_bias_table,
        'relative_position_index': relative_position_index,
    }


def reference(relative_position_bias_table, relative_position_index):
    bs2 = relative_position_index.shape[0]
    ws2 = relative_position_index.shape[1]
    flat_idx = relative_position_index.reshape(-1)
    relative_position_bias = jnp.take(relative_position_bias_table, flat_idx, axis=0)
    relative_position_bias = relative_position_bias.reshape(bs2, ws2, -1)
    relative_position_bias = jnp.transpose(relative_position_bias, (2, 0, 1))
    return relative_position_bias[None, :, None]

if __name__ == "__main__":
    import jax
    _d = setup_inputs()
    print(jax.jit(kernel)(*tuple(_d.values())))

</pallas_src>

<mosaic_0001>
#map = affine_map<(d0, d1) -> (0)>
#map1 = affine_map<(d0, d1) -> (0, 0)>
#map2 = affine_map<(d0, d1) -> (0, 0, 0, 0, 0)>
module attributes {stable_mosaic.version = 14 : i64} {
  func.func @_sc_body(%arg0: i32, %arg1: i32, %arg2: memref<16384xf32, #tpu.memory_space<hbm>>, %arg3: memref<256x256xi32, #tpu.memory_space<hbm>>, %arg4: memref<1x16x1x256x256xf32, #tpu.memory_space<hbm>>, %arg5: memref<16384xf32, #tpu.memory_space<vmem>>, %arg6: memref<8x256xi32, #tpu.memory_space<vmem>>, %arg7: memref<16x8x256xf32, #tpu.memory_space<vmem>>, %arg8: memref<!tpu.dma_semaphore, #tpu.memory_space<semaphore_mem>>, %arg9: memref<!tpu.dma_semaphore, #tpu.memory_space<semaphore_mem>>, %arg10: memref<!tpu.dma_semaphore, #tpu.memory_space<semaphore_mem>>) attributes {dimension_semantics = [#tpu.dimension_semantics<core_parallel>, #tpu.dimension_semantics<subcore_parallel>], iteration_bounds = array<i64: 2, 16>, scalar_prefetch = 0 : i64, scratch_operands = 6 : i64, tpu.core_type = #tpu.core_type<sc_vector_subcore>, window_params = [{transform_indices = #map}, {transform_indices = #map1}, {transform_indices = #map2}]} {
    %mul3A = arith.constant 2 : i32
    %mul3A_0 = arith.muli %arg1, %mul3A : i32
    %add3A = arith.addi %mul3A_0, %arg0 : i32
    %mul3A_1 = arith.constant 8 : i32
    %mul3A_2 = arith.muli %add3A, %mul3A_1 : i32
    tpu.enqueue_dma source(%arg2 : memref<16384xf32, #tpu.memory_space<hbm>>) target(%arg5 : memref<16384xf32, #tpu.memory_space<vmem>>) target_semaphore(%arg8 : memref<!tpu.dma_semaphore, #tpu.memory_space<semaphore_mem>>)
    %dma_start3A = arith.constant 0 : i32
    %dma_start3A_3 = tpu.memref_slice %arg3[%mul3A_2, %dma_start3A] : memref<256x256xi32, #tpu.memory_space<hbm>> -> memref<8x256xi32, #tpu.memory_space<hbm>>
    %dma_start3A_4 = arith.constant 0 : i32
    %dma_start3A_5 = tpu.memref_slice %arg3[%mul3A_2, %dma_start3A_4] : memref<256x256xi32, #tpu.memory_space<hbm>> -> memref<8x256xi32, #tpu.memory_space<hbm>>
    tpu.enqueue_dma source(%dma_start3A_5 : memref<8x256xi32, #tpu.memory_space<hbm>>) target(%arg6 : memref<8x256xi32, #tpu.memory_space<vmem>>) target_semaphore(%arg9 : memref<!tpu.dma_semaphore, #tpu.memory_space<semaphore_mem>>)
    tpu.wait_dma2 semaphore(%arg8 : memref<!tpu.dma_semaphore, #tpu.memory_space<semaphore_mem>>) src(%arg2 : memref<16384xf32, #tpu.memory_space<hbm>>) dst(%arg5 : memref<16384xf32, #tpu.memory_space<vmem>>)
    %dma_wait3A = arith.constant 0 : i32
    %dma_wait3A_6 = tpu.memref_slice %arg3[%mul3A_2, %dma_wait3A] : memref<256x256xi32, #tpu.memory_space<hbm>> -> memref<8x256xi32, #tpu.memory_space<hbm>>
    %dma_wait3A_7 = arith.constant 0 : i32
    %dma_wait3A_8 = tpu.memref_slice %arg3[%mul3A_2, %dma_wait3A_7] : memref<256x256xi32, #tpu.memory_space<hbm>> -> memref<8x256xi32, #tpu.memory_space<hbm>>
    tpu.wait_dma2 semaphore(%arg9 : memref<!tpu.dma_semaphore, #tpu.memory_space<semaphore_mem>>) src(%dma_wait3A_8 : memref<8x256xi32, #tpu.memory_space<hbm>>) dst(%arg6 : memref<8x256xi32, #tpu.memory_space<vmem>>)
    %parallel_loop3A = arith.constant 0 : i32
    %parallel_loop3A_9 = arith.constant 128 : i32
    %parallel_loop3A_10 = arith.constant 1 : i32
    scf.for %parallel_loop3A_51 = %parallel_loop3A to %parallel_loop3A_9 step %parallel_loop3A_10  : i32 {
      %parallel_loop3A_52 = arith.constant 4 : i32
      %parallel_loop3A_53 = arith.shrsi %parallel_loop3A_51, %parallel_loop3A_52 : i32
      %parallel_loop3A_54 = arith.constant 15 : i32
      %parallel_loop3A_55 = arith.andi %parallel_loop3A_51, %parallel_loop3A_54 : i32
      %parallel_loop3A_56 = arith.constant 4 : i32
      %parallel_loop3A_57 = arith.shli %parallel_loop3A_55, %parallel_loop3A_56 : i32
      %parallel_loop3A_58 = arith.index_cast %parallel_loop3A_53 : i32 to index
      %parallel_loop3A_59 = arith.index_cast %parallel_loop3A_57 : i32 to index
      %parallel_loop3A_60 = tpu.vector_load %arg6[%parallel_loop3A_58, %parallel_loop3A_59] {strides = array<i32>} : memref<8x256xi32, #tpu.memory_space<vmem>>, vector<16xi32>,
      %parallel_loop3A_61 = arith.constant 0 : i32
      %parallel_loop3A_62 = tpu.memref_slice %arg5[%parallel_loop3A_61] : memref<16384xf32, #tpu.memory_space<vmem>> -> memref<1024xf32, #tpu.memory_space<vmem>>
      %parallel_loop3A_63 = tpu.vector_load_idx %parallel_loop3A_62[%parallel_loop3A_60] : memref<1024xf32, #tpu.memory_space<vmem>>[vector<16xi32>], vector<16xf32>,
      %parallel_loop3A_64 = arith.constant 0 : i32
      %parallel_loop3A_65 = arith.index_cast %parallel_loop3A_64 : i32 to index
      %parallel_loop3A_66 = arith.index_cast %parallel_loop3A_53 : i32 to index
      %parallel_loop3A_67 = arith.index_cast %parallel_loop3A_57 : i32 to index
      %parallel_loop3A_68 = tpu.vector_load %arg7[%parallel_loop3A_65, %parallel_loop3A_66, %parallel_loop3A_67] {strides = array<i32>} : memref<16x8x256xf32, #tpu.memory_space<vmem>>, vector<16xf32>,
      tpu.vector_store %arg7[%parallel_loop3A_65, %parallel_loop3A_66, %parallel_loop3A_67], %parallel_loop3A_63 {strides = array<i32>} : memref<16x8x256xf32, #tpu.memory_space<vmem>>, vector<16xf32>,
      %parallel_loop3A_69 = arith.constant 1024 : i32
      %parallel_loop3A_70 = tpu.memref_slice %arg5[%parallel_loop3A_69] : memref<16384xf32, #tpu.memory_space<vmem>> -> memref<1024xf32, #tpu.memory_space<vmem>>
      %parallel_loop3A_71 = tpu.vector_load_idx %parallel_loop3A_70[%parallel_loop3A_60] : memref<1024xf32, #tpu.memory_space<vmem>>[vector<16xi32>], vector<16xf32>,
      %parallel_loop3A_72 = arith.constant 1 : i32
      %parallel_loop3A_73 = arith.index_cast %parallel_loop3A_72 : i32 to index
      %parallel_loop3A_74 = arith.index_cast %parallel_loop3A_53 : i32 to index
      %parallel_loop3A_75 = arith.index_cast %parallel_loop3A_57 : i32 to index
      %parallel_loop3A_76 = tpu.vector_load %arg7[%parallel_loop3A_73, %parallel_loop3A_74, %parallel_loop3A_75] {strides = array<i32>} : memref<16x8x256xf32, #tpu.memory_space<vmem>>, vector<16xf32>,
      tpu.vector_store %arg7[%parallel_loop3A_73, %parallel_loop3A_74, %parallel_loop3A_75], %parallel_loop3A_71 {strides = array<i32>} : memref<16x8x256xf32, #tpu.memory_space<vmem>>, vector<16xf32>,
      %parallel_loop3A_77 = arith.constant 2048 : i32
      %parallel_loop3A_78 = tpu.memref_slice %arg5[%parallel_loop3A_77] : memref<16384xf32, #tpu.memory_space<vmem>> -> memref<1024xf32, #tpu.memory_space<vmem>>
      %parallel_loop3A_79 = tpu.vector_load_idx %parallel_loop3A_78[%parallel_loop3A_60] : memref<1024xf32, #tpu.memory_space<vmem>>[vector<16xi32>], vector<16xf32>,
      %parallel_loop3A_80 = arith.constant 2 : i32
      %parallel_loop3A_81 = arith.index_cast %parallel_loop3A_80 : i32 to index
      %parallel_loop3A_82 = arith.index_cast %parallel_loop3A_53 : i32 to index
      %parallel_loop3A_83 = arith.index_cast %parallel_loop3A_57 : i32 to index
      %parallel_loop3A_84 = tpu.vector_load %arg7[%parallel_loop3A_81, %parallel_loop3A_82, %parallel_loop3A_83] {strides = array<i32>} : memref<16x8x256xf32, #tpu.memory_space<vmem>>, vector<16xf32>,
      tpu.vector_store %arg7[%parallel_loop3A_81, %parallel_loop3A_82, %parallel_loop3A_83], %parallel_loop3A_79 {strides = array<i32>} : memref<16x8x256xf32, #tpu.memory_space<vmem>>, vector<16xf32>,
      %parallel_loop3A_85 = arith.constant 3072 : i32
      %parallel_loop3A_86 = tpu.memref_slice %arg5[%parallel_loop3A_85] : memref<16384xf32, #tpu.memory_space<vmem>> -> memref<1024xf32, #tpu.memory_space<vmem>>
      %parallel_loop3A_87 = tpu.vector_load_idx %parallel_loop3A_86[%parallel_loop3A_60] : memref<1024xf32, #tpu.memory_space<vmem>>[vector<16xi32>], vector<16xf32>,
      %parallel_loop3A_88 = arith.constant 3 : i32
      %parallel_loop3A_89 = arith.index_cast %parallel_loop3A_88 : i32 to index
      %parallel_loop3A_90 = arith.index_cast %parallel_loop3A_53 : i32 to index
      %parallel_loop3A_91 = arith.index_cast %parallel_loop3A_57 : i32 to index
      %parallel_loop3A_92 = tpu.vector_load %arg7[%parallel_loop3A_89, %parallel_loop3A_90, %parallel_loop3A_91] {strides = array<i32>} : memref<16x8x256xf32, #tpu.memory_space<vmem>>, vector<16xf32>,
      tpu.vector_store %arg7[%parallel_loop3A_89, %parallel_loop3A_90, %parallel_loop3A_91], %parallel_loop3A_87 {strides = array<i32>} : memref<16x8x256xf32, #tpu.memory_space<vmem>>, vector<16xf32>,
      %parallel_loop3A_93 = arith.constant 4096 : i32
      %parallel_loop3A_94 = tpu.memref_slice %arg5[%parallel_loop3A_93] : memref<16384xf32, #tpu.memory_space<vmem>> -> memref<1024xf32, #tpu.memory_space<vmem>>
      %parallel_loop3A_95 = tpu.vector_load_idx %parallel_loop3A_94[%parallel_loop3A_60] : memref<1024xf32, #tpu.memory_space<vmem>>[vector<16xi32>], vector<16xf32>,
      %parallel_loop3A_96 = arith.constant 4 : i32
      %parallel_loop3A_97 = arith.index_cast %parallel_loop3A_96 : i32 to index
      %parallel_loop3A_98 = arith.index_cast %parallel_loop3A_53 : i32 to index
      %parallel_loop3A_99 = arith.index_cast %parallel_loop3A_57 : i32 to index
      %parallel_loop3A_100 = tpu.vector_load %arg7[%parallel_loop3A_97, %parallel_loop3A_98, %parallel_loop3A_99] {strides = array<i32>} : memref<16x8x256xf32, #tpu.memory_space<vmem>>, vector<16xf32>,
      tpu.vector_store %arg7[%parallel_loop3A_97, %parallel_loop3A_98, %parallel_loop3A_99], %parallel_loop3A_95 {strides = array<i32>} : memref<16x8x256xf32, #tpu.memory_space<vmem>>, vector<16xf32>,
      %parallel_loop3A_101 = arith.constant 5120 : i32
      %parallel_loop3A_102 = tpu.memref_slice %arg5[%parallel_loop3A_101] : memref<16384xf32, #tpu.memory_space<vmem>> -> memref<1024xf32, #tpu.memory_space<vmem>>
      %parallel_loop3A_103 = tpu.vector_load_idx %parallel_loop3A_102[%parallel_loop3A_60] : memref<1024xf32, #tpu.memory_space<vmem>>[vector<16xi32>], vector<16xf32>,
      %parallel_loop3A_104 = arith.constant 5 : i32
      %parallel_loop3A_105 = arith.index_cast %parallel_loop3A_104 : i32 to index
      %parallel_loop3A_106 = arith.index_cast %parallel_loop3A_53 : i32 to index
      %parallel_loop3A_107 = arith.index_cast %parallel_loop3A_57 : i32 to index
      %parallel_loop3A_108 = tpu.vector_load %arg7[%parallel_loop3A_105, %parallel_loop3A_106, %parallel_loop3A_107] {strides = array<i32>} : memref<16x8x256xf32, #tpu.memory_space<vmem>>, vector<16xf32>,
      tpu.vector_store %arg7[%parallel_loop3A_105, %parallel_loop3A_106, %parallel_loop3A_107], %parallel_loop3A_103 {strides = array<i32>} : memref<16x8x256xf32, #tpu.memory_space<vmem>>, vector<16xf32>,
      %parallel_loop3A_109 = arith.constant 6144 : i32
      %parallel_loop3A_110 = tpu.memref_slice %arg5[%parallel_loop3A_109] : memref<16384xf32, #tpu.memory_space<vmem>> -> memref<1024xf32, #tpu.memory_space<vmem>>
      %parallel_loop3A_111 = tpu.vector_load_idx %parallel_loop3A_110[%parallel_loop3A_60] : memref<1024xf32, #tpu.memory_space<vmem>>[vector<16xi32>], vector<16xf32>,
      %parallel_loop3A_112 = arith.constant 6 : i32
      %parallel_loop3A_113 = arith.index_cast %parallel_loop3A_112 : i32 to index
      %parallel_loop3A_114 = arith.index_cast %parallel_loop3A_53 : i32 to index
      %parallel_loop3A_115 = arith.index_cast %parallel_loop3A_57 : i32 to index
      %parallel_loop3A_116 = tpu.vector_load %arg7[%parallel_loop3A_113, %parallel_loop3A_114, %parallel_loop3A_115] {strides = array<i32>} : memref<16x8x256xf32, #tpu.memory_space<vmem>>, vector<16xf32>,
      tpu.vector_store %arg7[%parallel_loop3A_113, %parallel_loop3A_114, %parallel_loop3A_115], %parallel_loop3A_111 {strides = array<i32>} : memref<16x8x256xf32, #tpu.memory_space<vmem>>, vector<16xf32>,
      %parallel_loop3A_117 = arith.constant 7168 : i32
      %parallel_loop3A_118 = tpu.memref_slice %arg5[%parallel_loop3A_117] : memref<16384xf32, #tpu.memory_space<vmem>> -> memref<1024xf32, #tpu.memory_space<vmem>>
      %parallel_loop3A_119 = tpu.vector_load_idx %parallel_loop3A_118[%parallel_loop3A_60] : memref<1024xf32, #tpu.memory_space<vmem>>[vector<16xi32>], vector<16xf32>,
      %parallel_loop3A_120 = arith.constant 7 : i32
      %parallel_loop3A_121 = arith.index_cast %parallel_loop3A_120 : i32 to index
      %parallel_loop3A_122 = arith.index_cast %parallel_loop3A_53 : i32 to index
      %parallel_loop3A_123 = arith.index_cast %parallel_loop3A_57 : i32 to index
      %parallel_loop3A_124 = tpu.vector_load %arg7[%parallel_loop3A_121, %parallel_loop3A_122, %parallel_loop3A_123] {strides = array<i32>} : memref<16x8x256xf32, #tpu.memory_space<vmem>>, vector<16xf32>,
      tpu.vector_store %arg7[%parallel_loop3A_121, %parallel_loop3A_122, %parallel_loop3A_123], %parallel_loop3A_119 {strides = array<i32>} : memref<16x8x256xf32, #tpu.memory_space<vmem>>, vector<16xf32>,
    } {sc.loop_unroll_factor = 16 : i64, sc.parallel_access}
    %dma_start3A_11 = arith.constant 0 : i32
    %dma_start3A_12 = arith.constant 0 : i32
    %dma_start3A_13 = arith.constant 0 : i32
    %dma_start3A_14 = arith.constant 0 : i32
    %dma_start3A_15 = arith.constant 0 : i32
    %dma_start3A_16 = tpu.memref_slice %arg7[%dma_start3A_13, %dma_start3A_14, %dma_start3A_15] : memref<16x8x256xf32, #tpu.memory_space<vmem>> -> memref<8x8x256xf32, #tpu.memory_space<vmem>>
    %dma_start3A_17 = arith.constant 0 : i32
    %dma_start3A_18 = arith.constant 0 : i32
    %dma_start3A_19 = tpu.memref_slice %arg4[%dma_start3A_11, %dma_start3A_17, %dma_start3A_12, %mul3A_2, %dma_start3A_18] : memref<1x16x1x256x256xf32, #tpu.memory_space<hbm>> -> memref<1x8x1x8x256xf32, #tpu.memory_space<hbm>>
    %dma_start3A_20 = tpu.memref_squeeze %dma_start3A_19 : memref<1x8x1x8x256xf32, #tpu.memory_space<hbm>> -> memref<8x8x256xf32, #tpu.memory_space<hbm>>
    %dma_start3A_21 = arith.constant 0 : i32
    %dma_start3A_22 = arith.constant 0 : i32
    %dma_start3A_23 = tpu.memref_slice %arg4[%dma_start3A_11, %dma_start3A_21, %dma_start3A_12, %mul3A_2, %dma_start3A_22] : memref<1x16x1x256x256xf32, #tpu.memory_space<hbm>> -> memref<1x8x1x8x256xf32, #tpu.memory_space<hbm>>
    %dma_start3A_24 = tpu.memref_squeeze %dma_start3A_23 : memref<1x8x1x8x256xf32, #tpu.memory_space<hbm>> -> memref<8x8x256xf32, #tpu.memory_space<hbm>>
    %dma_start3A_25 = arith.constant 0 : i32
    %dma_start3A_26 = arith.constant 0 : i32
    %dma_start3A_27 = arith.constant 0 : i32
    %dma_start3A_28 = tpu.memref_slice %arg7[%dma_start3A_25, %dma_start3A_26, %dma_start3A_27] : memref<16x8x256xf32, #tpu.memory_space<vmem>> -> memref<8x8x256xf32, #tpu.memory_space<vmem>>
    tpu.enqueue_dma source(%dma_start3A_28 : memref<8x8x256xf32, #tpu.memory_space<vmem>>) target(%dma_start3A_24 : memref<8x8x256xf32, #tpu.memory_space<hbm>>) target_semaphore(%arg10 : memref<!tpu.dma_semaphore, #tpu.memory_space<semaphore_mem>>)
    %parallel_loop3A_29 = arith.constant 0 : i32
    %parallel_loop3A_30 = arith.constant 128 : i32
    %parallel_loop3A_31 = arith.constant 1 : i32
    scf.for %parallel_loop3A_51 = %parallel_loop3A_29 to %parallel_loop3A_30 step %parallel_loop3A_31  : i32 {
      %parallel_loop3A_52 = arith.constant 4 : i32
      %parallel_loop3A_53 = arith.shrsi %parallel_loop3A_51, %parallel_loop3A_52 : i32
      %parallel_loop3A_54 = arith.constant 15 : i32
      %parallel_loop3A_55 = arith.andi %parallel_loop3A_51, %parallel_loop3A_54 : i32
      %parallel_loop3A_56 = arith.constant 4 : i32
      %parallel_loop3A_57 = arith.shli %parallel_loop3A_55, %parallel_loop3A_56 : i32
      %parallel_loop3A_58 = arith.index_cast %parallel_loop3A_53 : i32 to index
      %parallel_loop3A_59 = arith.index_cast %parallel_loop3A_57 : i32 to index
      %parallel_loop3A_60 = tpu.vector_load %arg6[%parallel_loop3A_58, %parallel_loop3A_59] {strides = array<i32>} : memref<8x256xi32, #tpu.memory_space<vmem>>, vector<16xi32>,
      %parallel_loop3A_61 = arith.constant 8192 : i32
      %parallel_loop3A_62 = tpu.memref_slice %arg5[%parallel_loop3A_61] : memref<16384xf32, #tpu.memory_space<vmem>> -> memref<1024xf32, #tpu.memory_space<vmem>>
      %parallel_loop3A_63 = tpu.vector_load_idx %parallel_loop3A_62[%parallel_loop3A_60] : memref<1024xf32, #tpu.memory_space<vmem>>[vector<16xi32>], vector<16xf32>,
      %parallel_loop3A_64 = arith.constant 8 : i32
      %parallel_loop3A_65 = arith.index_cast %parallel_loop3A_64 : i32 to index
      %parallel_loop3A_66 = arith.index_cast %parallel_loop3A_53 : i32 to index
      %parallel_loop3A_67 = arith.index_cast %parallel_loop3A_57 : i32 to index
      %parallel_loop3A_68 = tpu.vector_load %arg7[%parallel_loop3A_65, %parallel_loop3A_66, %parallel_loop3A_67] {strides = array<i32>} : memref<16x8x256xf32, #tpu.memory_space<vmem>>, vector<16xf32>,
      tpu.vector_store %arg7[%parallel_loop3A_65, %parallel_loop3A_66, %parallel_loop3A_67], %parallel_loop3A_63 {strides = array<i32>} : memref<16x8x256xf32, #tpu.memory_space<vmem>>, vector<16xf32>,
      %parallel_loop3A_69 = arith.constant 9216 : i32
      %parallel_loop3A_70 = tpu.memref_slice %arg5[%parallel_loop3A_69] : memref<16384xf32, #tpu.memory_space<vmem>> -> memref<1024xf32, #tpu.memory_space<vmem>>
      %parallel_loop3A_71 = tpu.vector_load_idx %parallel_loop3A_70[%parallel_loop3A_60] : memref<1024xf32, #tpu.memory_space<vmem>>[vector<16xi32>], vector<16xf32>,
      %parallel_loop3A_72 = arith.constant 9 : i32
      %parallel_loop3A_73 = arith.index_cast %parallel_loop3A_72 : i32 to index
      %parallel_loop3A_74 = arith.index_cast %parallel_loop3A_53 : i32 to index
      %parallel_loop3A_75 = arith.index_cast %parallel_loop3A_57 : i32 to index
      %parallel_loop3A_76 = tpu.vector_load %arg7[%parallel_loop3A_73, %parallel_loop3A_74, %parallel_loop3A_75] {strides = array<i32>} : memref<16x8x256xf32, #tpu.memory_space<vmem>>, vector<16xf32>,
      tpu.vector_store %arg7[%parallel_loop3A_73, %parallel_loop3A_74, %parallel_loop3A_75], %parallel_loop3A_71 {strides = array<i32>} : memref<16x8x256xf32, #tpu.memory_space<vmem>>, vector<16xf32>,
      %parallel_loop3A_77 = arith.constant 10240 : i32
      %parallel_loop3A_78 = tpu.memref_slice %arg5[%parallel_loop3A_77] : memref<16384xf32, #tpu.memory_space<vmem>> -> memref<1024xf32, #tpu.memory_space<vmem>>
      %parallel_loop3A_79 = tpu.vector_load_idx %parallel_loop3A_78[%parallel_loop3A_60] : memref<1024xf32, #tpu.memory_space<vmem>>[vector<16xi32>], vector<16xf32>,
      %parallel_loop3A_80 = arith.constant 10 : i32
      %parallel_loop3A_81 = arith.index_cast %parallel_loop3A_80 : i32 to index
      %parallel_loop3A_82 = arith.index_cast %parallel_loop3A_53 : i32 to index
      %parallel_loop3A_83 = arith.index_cast %parallel_loop3A_57 : i32 to index
      %parallel_loop3A_84 = tpu.vector_load %arg7[%parallel_loop3A_81, %parallel_loop3A_82, %parallel_loop3A_83] {strides = array<i32>} : memref<16x8x256xf32, #tpu.memory_space<vmem>>, vector<16xf32>,
      tpu.vector_store %arg7[%parallel_loop3A_81, %parallel_loop3A_82, %parallel_loop3A_83], %parallel_loop3A_79 {strides = array<i32>} : memref<16x8x256xf32, #tpu.memory_space<vmem>>, vector<16xf32>,
      %parallel_loop3A_85 = arith.constant 11264 : i32
      %parallel_loop3A_86 = tpu.memref_slice %arg5[%parallel_loop3A_85] : memref<16384xf32, #tpu.memory_space<vmem>> -> memref<1024xf32, #tpu.memory_space<vmem>>
      %parallel_loop3A_87 = tpu.vector_load_idx %parallel_loop3A_86[%parallel_loop3A_60] : memref<1024xf32, #tpu.memory_space<vmem>>[vector<16xi32>], vector<16xf32>,
      %parallel_loop3A_88 = arith.constant 11 : i32
      %parallel_loop3A_89 = arith.index_cast %parallel_loop3A_88 : i32 to index
      %parallel_loop3A_90 = arith.index_cast %parallel_loop3A_53 : i32 to index
      %parallel_loop3A_91 = arith.index_cast %parallel_loop3A_57 : i32 to index
      %parallel_loop3A_92 = tpu.vector_load %arg7[%parallel_loop3A_89, %parallel_loop3A_90, %parallel_loop3A_91] {strides = array<i32>} : memref<16x8x256xf32, #tpu.memory_space<vmem>>, vector<16xf32>,
      tpu.vector_store %arg7[%parallel_loop3A_89, %parallel_loop3A_90, %parallel_loop3A_91], %parallel_loop3A_87 {strides = array<i32>} : memref<16x8x256xf32, #tpu.memory_space<vmem>>, vector<16xf32>,
      %parallel_loop3A_93 = arith.constant 12288 : i32
      %parallel_loop3A_94 = tpu.memref_slice %arg5[%parallel_loop3A_93] : memref<16384xf32, #tpu.memory_space<vmem>> -> memref<1024xf32, #tpu.memory_space<vmem>>
      %parallel_loop3A_95 = tpu.vector_load_idx %parallel_loop3A_94[%parallel_loop3A_60] : memref<1024xf32, #tpu.memory_space<vmem>>[vector<16xi32>], vector<16xf32>,
      %parallel_loop3A_96 = arith.constant 12 : i32
      %parallel_loop3A_97 = arith.index_cast %parallel_loop3A_96 : i32 to index
      %parallel_loop3A_98 = arith.index_cast %parallel_loop3A_53 : i32 to index
      %parallel_loop3A_99 = arith.index_cast %parallel_loop3A_57 : i32 to index
      %parallel_loop3A_100 = tpu.vector_load %arg7[%parallel_loop3A_97, %parallel_loop3A_98, %parallel_loop3A_99] {strides = array<i32>} : memref<16x8x256xf32, #tpu.memory_space<vmem>>, vector<16xf32>,
      tpu.vector_store %arg7[%parallel_loop3A_97, %parallel_loop3A_98, %parallel_loop3A_99], %parallel_loop3A_95 {strides = array<i32>} : memref<16x8x256xf32, #tpu.memory_space<vmem>>, vector<16xf32>,
      %parallel_loop3A_101 = arith.constant 13312 : i32
      %parallel_loop3A_102 = tpu.memref_slice %arg5[%parallel_loop3A_101] : memref<16384xf32, #tpu.memory_space<vmem>> -> memref<1024xf32, #tpu.memory_space<vmem>>
      %parallel_loop3A_103 = tpu.vector_load_idx %parallel_loop3A_102[%parallel_loop3A_60] : memref<1024xf32, #tpu.memory_space<vmem>>[vector<16xi32>], vector<16xf32>,
      %parallel_loop3A_104 = arith.constant 13 : i32
      %parallel_loop3A_105 = arith.index_cast %parallel_loop3A_104 : i32 to index
      %parallel_loop3A_106 = arith.index_cast %parallel_loop3A_53 : i32 to index
      %parallel_loop3A_107 = arith.index_cast %parallel_loop3A_57 : i32 to index
      %parallel_loop3A_108 = tpu.vector_load %arg7[%parallel_loop3A_105, %parallel_loop3A_106, %parallel_loop3A_107] {strides = array<i32>} : memref<16x8x256xf32, #tpu.memory_space<vmem>>, vector<16xf32>,
      tpu.vector_store %arg7[%parallel_loop3A_105, %parallel_loop3A_106, %parallel_loop3A_107], %parallel_loop3A_103 {strides = array<i32>} : memref<16x8x256xf32, #tpu.memory_space<vmem>>, vector<16xf32>,
      %parallel_loop3A_109 = arith.constant 14336 : i32
      %parallel_loop3A_110 = tpu.memref_slice %arg5[%parallel_loop3A_109] : memref<16384xf32, #tpu.memory_space<vmem>> -> memref<1024xf32, #tpu.memory_space<vmem>>
      %parallel_loop3A_111 = tpu.vector_load_idx %parallel_loop3A_110[%parallel_loop3A_60] : memref<1024xf32, #tpu.memory_space<vmem>>[vector<16xi32>], vector<16xf32>,
      %parallel_loop3A_112 = arith.constant 14 : i32
      %parallel_loop3A_113 = arith.index_cast %parallel_loop3A_112 : i32 to index
      %parallel_loop3A_114 = arith.index_cast %parallel_loop3A_53 : i32 to index
      %parallel_loop3A_115 = arith.index_cast %parallel_loop3A_57 : i32 to index
      %parallel_loop3A_116 = tpu.vector_load %arg7[%parallel_loop3A_113, %parallel_loop3A_114, %parallel_loop3A_115] {strides = array<i32>} : memref<16x8x256xf32, #tpu.memory_space<vmem>>, vector<16xf32>,
      tpu.vector_store %arg7[%parallel_loop3A_113, %parallel_loop3A_114, %parallel_loop3A_115], %parallel_loop3A_111 {strides = array<i32>} : memref<16x8x256xf32, #tpu.memory_space<vmem>>, vector<16xf32>,
      %parallel_loop3A_117 = arith.constant 15360 : i32
      %parallel_loop3A_118 = tpu.memref_slice %arg5[%parallel_loop3A_117] : memref<16384xf32, #tpu.memory_space<vmem>> -> memref<1024xf32, #tpu.memory_space<vmem>>
      %parallel_loop3A_119 = tpu.vector_load_idx %parallel_loop3A_118[%parallel_loop3A_60] : memref<1024xf32, #tpu.memory_space<vmem>>[vector<16xi32>], vector<16xf32>,
      %parallel_loop3A_120 = arith.constant 15 : i32
      %parallel_loop3A_121 = arith.index_cast %parallel_loop3A_120 : i32 to index
      %parallel_loop3A_122 = arith.index_cast %parallel_loop3A_53 : i32 to index
      %parallel_loop3A_123 = arith.index_cast %parallel_loop3A_57 : i32 to index
      %parallel_loop3A_124 = tpu.vector_load %arg7[%parallel_loop3A_121, %parallel_loop3A_122, %parallel_loop3A_123] {strides = array<i32>} : memref<16x8x256xf32, #tpu.memory_space<vmem>>, vector<16xf32>,
      tpu.vector_store %arg7[%parallel_loop3A_121, %parallel_loop3A_122, %parallel_loop3A_123], %parallel_loop3A_119 {strides = array<i32>} : memref<16x8x256xf32, #tpu.memory_space<vmem>>, vector<16xf32>,
    } {sc.loop_unroll_factor = 16 : i64, sc.parallel_access}
    %dma_wait3A_32 = arith.constant 0 : i32
    %dma_wait3A_33 = arith.constant 0 : i32
    %dma_wait3A_34 = arith.constant 0 : i32
    %dma_wait3A_35 = arith.constant 0 : i32
    %dma_wait3A_36 = arith.constant 0 : i32
    %dma_wait3A_37 = tpu.memref_slice %arg7[%dma_wait3A_34, %dma_wait3A_35, %dma_wait3A_36] : memref<16x8x256xf32, #tpu.memory_space<vmem>> -> memref<8x8x256xf32, #tpu.memory_space<vmem>>
    %dma_wait3A_38 = arith.constant 0 : i32
    %dma_wait3A_39 = arith.constant 0 : i32
    %dma_wait3A_40 = tpu.memref_slice %arg4[%dma_wait3A_32, %dma_wait3A_38, %dma_wait3A_33, %mul3A_2, %dma_wait3A_39] : memref<1x16x1x256x256xf32, #tpu.memory_space<hbm>> -> memref<1x8x1x8x256xf32, #tpu.memory_space<hbm>>
    %dma_wait3A_41 = tpu.memref_squeeze %dma_wait3A_40 : memref<1x8x1x8x256xf32, #tpu.memory_space<hbm>> -> memref<8x8x256xf32, #tpu.memory_space<hbm>>
    %dma_wait3A_42 = arith.constant 0 : i32
    %dma_wait3A_43 = arith.constant 0 : i32
    %dma_wait3A_44 = tpu.memref_slice %arg4[%dma_wait3A_32, %dma_wait3A_42, %dma_wait3A_33, %mul3A_2, %dma_wait3A_43] : memref<1x16x1x256x256xf32, #tpu.memory_space<hbm>> -> memref<1x8x1x8x256xf32, #tpu.memory_space<hbm>>
    %dma_wait3A_45 = tpu.memref_squeeze %dma_wait3A_44 : memref<1x8x1x8x256xf32, #tpu.memory_space<hbm>> -> memref<8x8x256xf32, #tpu.memory_space<hbm>>
    %dma_wait3A_46 = arith.constant 0 : i32
    %dma_wait3A_47 = arith.constant 0 : i32
    %dma_wait3A_48 = arith.constant 0 : i32
    %dma_wait3A_49 = tpu.memref_slice %arg7[%dma_wait3A_46, %dma_wait3A_47, %dma_wait3A_48] : memref<16x8x256xf32, #tpu.memory_space<vmem>> -> memref<8x8x256xf32, #tpu.memory_space<vmem>>
    tpu.wait_dma2 semaphore(%arg10 : memref<!tpu.dma_semaphore, #tpu.memory_space<semaphore_mem>>) src(%dma_wait3A_49 : memref<8x8x256xf32, #tpu.memory_space<vmem>>) dst(%dma_wait3A_45 : memref<8x8x256xf32, #tpu.memory_space<hbm>>)
    %run_scoped3A = arith.constant 0 : i32
    %run_scoped3A_50 = arith.constant 0 : i32
    "tpu.region"() ({
      %run_scoped3A_51 = tpu.sem_alloc : memref<!tpu.dma_semaphore, #tpu.memory_space<semaphore_mem>>
      %dma_start3A_52 = arith.constant 8 : i32
      %dma_start3A_53 = arith.constant 0 : i32
      %dma_start3A_54 = arith.constant 0 : i32
      %dma_start3A_55 = tpu.memref_slice %arg7[%dma_start3A_52, %dma_start3A_53, %dma_start3A_54] : memref<16x8x256xf32, #tpu.memory_space<vmem>> -> memref<8x8x256xf32, #tpu.memory_space<vmem>>
      %dma_start3A_56 = arith.constant 8 : i32
      %dma_start3A_57 = arith.constant 0 : i32
      %dma_start3A_58 = tpu.memref_slice %arg4[%run_scoped3A, %dma_start3A_56, %run_scoped3A_50, %mul3A_2, %dma_start3A_57] : memref<1x16x1x256x256xf32, #tpu.memory_space<hbm>> -> memref<1x8x1x8x256xf32, #tpu.memory_space<hbm>>
      %dma_start3A_59 = tpu.memref_squeeze %dma_start3A_58 : memref<1x8x1x8x256xf32, #tpu.memory_space<hbm>> -> memref<8x8x256xf32, #tpu.memory_space<hbm>>
      %dma_start3A_60 = arith.constant 8 : i32
      %dma_start3A_61 = arith.constant 0 : i32
      %dma_start3A_62 = tpu.memref_slice %arg4[%run_scoped3A, %dma_start3A_60, %run_scoped3A_50, %mul3A_2, %dma_start3A_61] : memref<1x16x1x256x256xf32, #tpu.memory_space<hbm>> -> memref<1x8x1x8x256xf32, #tpu.memory_space<hbm>>
      %dma_start3A_63 = tpu.memref_squeeze %dma_start3A_62 : memref<1x8x1x8x256xf32, #tpu.memory_space<hbm>> -> memref<8x8x256xf32, #tpu.memory_space<hbm>>
      %dma_start3A_64 = arith.constant 8 : i32
      %dma_start3A_65 = arith.constant 0 : i32
      %dma_start3A_66 = arith.constant 0 : i32
      %dma_start3A_67 = tpu.memref_slice %arg7[%dma_start3A_64, %dma_start3A_65, %dma_start3A_66] : memref<16x8x256xf32, #tpu.memory_space<vmem>> -> memref<8x8x256xf32, #tpu.memory_space<vmem>>
      tpu.enqueue_dma source(%dma_start3A_67 : memref<8x8x256xf32, #tpu.memory_space<vmem>>) target(%dma_start3A_63 : memref<8x8x256xf32, #tpu.memory_space<hbm>>) target_semaphore(%run_scoped3A_51 : memref<!tpu.dma_semaphore, #tpu.memory_space<semaphore_mem>>)
      %dma_wait3A_68 = arith.constant 8 : i32
      %dma_wait3A_69 = arith.constant 0 : i32
      %dma_wait3A_70 = arith.constant 0 : i32
      %dma_wait3A_71 = tpu.memref_slice %arg7[%dma_wait3A_68, %dma_wait3A_69, %dma_wait3A_70] : memref<16x8x256xf32, #tpu.memory_space<vmem>> -> memref<8x8x256xf32, #tpu.memory_space<vmem>>
      %dma_wait3A_72 = arith.constant 8 : i32
      %dma_wait3A_73 = arith.constant 0 : i32
      %dma_wait3A_74 = tpu.memref_slice %arg4[%run_scoped3A, %dma_wait3A_72, %run_scoped3A_50, %mul3A_2, %dma_wait3A_73] : memref<1x16x1x256x256xf32, #tpu.memory_space<hbm>> -> memref<1x8x1x8x256xf32, #tpu.memory_space<hbm>>
      %dma_wait3A_75 = tpu.memref_squeeze %dma_wait3A_74 : memref<1x8x1x8x256xf32, #tpu.memory_space<hbm>> -> memref<8x8x256xf32, #tpu.memory_space<hbm>>
      %dma_wait3A_76 = arith.constant 8 : i32
      %dma_wait3A_77 = arith.constant 0 : i32
      %dma_wait3A_78 = tpu.memref_slice %arg4[%run_scoped3A, %dma_wait3A_76, %run_scoped3A_50, %mul3A_2, %dma_wait3A_77] : memref<1x16x1x256x256xf32, #tpu.memory_space<hbm>> -> memref<1x8x1x8x256xf32, #tpu.memory_space<hbm>>
      %dma_wait3A_79 = tpu.memref_squeeze %dma_wait3A_78 : memref<1x8x1x8x256xf32, #tpu.memory_space<hbm>> -> memref<8x8x256xf32, #tpu.memory_space<hbm>>
      %dma_wait3A_80 = arith.constant 8 : i32
      %dma_wait3A_81 = arith.constant 0 : i32
      %dma_wait3A_82 = arith.constant 0 : i32
      %dma_wait3A_83 = tpu.memref_slice %arg7[%dma_wait3A_80, %dma_wait3A_81, %dma_wait3A_82] : memref<16x8x256xf32, #tpu.memory_space<vmem>> -> memref<8x8x256xf32, #tpu.memory_space<vmem>>
      tpu.wait_dma2 semaphore(%run_scoped3A_51 : memref<!tpu.dma_semaphore, #tpu.memory_space<semaphore_mem>>) src(%dma_wait3A_83 : memref<8x8x256xf32, #tpu.memory_space<vmem>>) dst(%dma_wait3A_79 : memref<8x8x256xf32, #tpu.memory_space<hbm>>)
      tpu.yield
    }) : () -> ()
    return
  }
}

</mosaic_0001>

<sc_bundles>
// kernel: kernel.3.cloned.1.call-start
scs
__scs_entry_jumppad:
0x0: {  	(pc) =	sbr.rel $0x88, $3  }
0x1: {  	(tag) =	ssettag $0x0;
	lr =	simm.s32 $0x1  }
0x2: {  	[smem:$0x3F9F] =	sst lr;
	_ =	strace $0xD0000000  }
0x3: {  	_ = 	snop  }
0x4: {  	_ = 	snop  }
0x5: {  	_ = 	snop  }
0x6: {  	_ = 	snop  }
0x7: {  	_ = 	snop  }
__scs_overlays_trampoline_lowered:
0x8: {  	[smem:$0x3FAE] =	sst s0  }
0x9: {  	[smem:$0x3FAF] =	sst s1  }
0xa: {  	[smem:$0x3FB0] =	sst s2  }
0xb: {  	[smem:$0x3FB1] =	sst s3  }
0xc: {  	[smem:$0x3FB2] =	sst s4  }
0xd: {  	[smem:$0x3FB3] =	sst s5  }
0xe: {  	[smem:$0x3FB4] =	sst s6  }
0xf: {  	[smem:$0x3FB5] =	sst s7  }
0x10: {  	[smem:$0x3FB6] =	sst s8  }
0x11: {  	[smem:$0x3FB7] =	sst s9;
	s0 =	simm.s32 @!p0 $0x0  }
0x12: {  	s1 =	sld [smem:$0x3F9D];
	s0 =	simm.s32 @p0 $0x1  }
0x13: {  	[smem:$0x3FB8] =	sst s0;
	s0 =	simm.s32 @!p1 $0x0  }
0x14: {  	s2 =	sld [smem:$0x3F9C];
	s0 =	simm.s32 @p1 $0x1  }
0x15: {  	[smem:$0x3FB9] =	sst s0;
	s0 =	simm.s32 @!p2 $0x0  }
0x16: {  	s3 =	sld [smem:$0x3FDB];
	s0 =	simm.s32 @p2 $0x1  }
0x17: {  	s4 =	simm.s32 $0x1BF5;
	[smem:$0x3FBB] =	sst s0  }
0x18: {  	s0 =	sld [smem:$0x3F9E];
	_ =	swait.ge [sflag:s4], $0x0  }
0x19: {  	s7 =	sld [smem:$0x3F9F]  }
0x1a: {  	s8 =	sadd.s32 $0xFFFFE003, lr  }
0x1b: {  	s9 =	sadd.s32 $0xFFFFFEF7, lr;
	s5 =	simm.s32 $0xFFFFFFFF;
	p2 =	slt.u32 s8, $0xFFFFF086  }
0x1c: {  	p1 =	slt.u32 s9, $0xF7A;
	s5 =	simm.s32 @!p2 $0x0  }
0x1d: {  	s5 =	simm.s32 @p1 $0x1;
	p0 =	seq.s32 s7, s2  }
0x1e: {  	s7 =	smul.u32 @!p0 $0xF7A, s2;
	p2 =	seq.s32 @!p0 s5, $0x0  }
0x1f: {  	s9 =	smul.u32 $0xF7A, s1;
	s8 =	simm.s32 @!p0 $0x1BF5;
	p2 =	por !p2, p0  }
0x20: {  	[sflag:s8] =	ssyncset.s32 @!p0 $0xFFFFF086;
	s6 =	sadd.s32 @!p0 s3, s7;
	s7 =	simm.s32 @!p0 $0x108  }
0x21: {  	s3 =	sadd.s32 s3, s9;
	s6 =	sadd.s32 @!p0 $0x88, s6;
	s7 =	simm.s32 @p2 $0x1082  }
0x22: {  	[simem:s7], [sflag:s8] =	dma.local @!p0 [hbm:s6], $0xF7A  }
0x23: {  	s9 =	sor.u32 $0xD0000000, s2;
	s6 =	simm.s32 $0x108;
	_ =	swait.ge @!p0 [sflag:s8], $0x0  }
0x24: {  	s3 =	sadd.s32 $0x88, s3;
	s6 =	simm.s32 @!p1 $0x1082;
	[sflag:s4] =	ssyncset.s32 $0xFFFFF086  }
0x25: {  	[simem:s6], [sflag:s4] =	dma.local [hbm:s3], $0xF7A  }
0x26: {  	[smem:$0x3F9F] =	sst s1;
	(tag) =	ssettag s2;
	_ =	strace s9  }
0x27: {  	s1 =	sld [smem:$0x3FAF]  }
0x28: {  	s2 =	sld [smem:$0x3FB0]  }
0x29: {  	s4 =	sld [smem:$0x3FB2]  }
0x2a: {  	p0 =	seq.s32 s5, $0x0;
	s5 =	sld [smem:$0x3FB3]  }
0x2b: {  	s6 =	sld [smem:$0x3FB4]  }
0x2c: {  	s7 =	sld [smem:$0x3FB5]  }
0x2d: {  	s3 =	simm.s32 $0x108;
	s8 =	sld [smem:$0x3FB6]  }
0x2e: {  	s3 =	simm.s32 @!p0 $0x1082;
	s9 =	sld [smem:$0x3FB7]  }
0x2f: {  	lr =	sadd.s32 s0, s3;
	s0 =	sld [smem:$0x3FAE]  }
0x30: {  	s3 =	sld [smem:$0x3FB1]  }
0x31: {  	[smem:$0x3FBA] =	sst s10  }
0x32: {  	s10 =	sld [smem:$0x3FB8];
	_ =	sdelay $0x3  }
0x33: {  	p0 =	seq.s32 s10, $0x1;
	s10 =	sld [smem:$0x3FBA];
	_ =	sdelay $0x3  }
0x34: {  	[smem:$0x3FBA] =	sst s10  }
0x35: {  	s10 =	sld [smem:$0x3FB9];
	_ =	sdelay $0x3  }
0x36: {  	p1 =	seq.s32 s10, $0x1;
	s10 =	sld [smem:$0x3FBA];
	_ =	sdelay $0x3  }
0x37: {  	[smem:$0x3FBA] =	sst s10  }
0x38: {  	s10 =	sld [smem:$0x3FBB]  }
0x39: {  	_ = 	snop;
	(pc) =	sbr.ind lr, $3  }
0x3a: {  	_ = 	snop  }
0x3b: {  	_ = 	snop  }
0x3c: {  	p2 =	seq.s32 s10, $0x1;
	s10 =	sld [smem:$0x3FBA]  }
0x3d: {  	_ =	shalt  }
0x3e: {  	_ =	shalt  }
0x3f: {  	_ =	shalt  }
0x40: {  	_ =	shalt  }
0x41: {  	_ =	shalt  }
0x42: {  	_ =	shalt  }
0x43: {  	_ =	shalt  }
0x44: {  	_ =	shalt  }
0x45: {  	_ =	shalt  }
0x46: {  	_ =	shalt  }
0x47: {  	_ =	shalt  }
0x48: {  	_ =	shalt  }
0x49: {  	_ =	shalt  }
0x4a: {  	_ =	shalt  }
0x4b: {  	_ =	shalt  }
0x4c: {  	_ =	shalt  }
0x4d: {  	_ =	shalt  }
0x4e: {  	_ =	shalt  }
0x4f: {  	_ =	shalt  }
0x50: {  	_ =	shalt  }
0x51: {  	_ =	shalt  }
0x52: {  	_ =	shalt  }
0x53: {  	_ =	shalt  }
0x54: {  	_ =	shalt  }
0x55: {  	_ =	shalt  }
0x56: {  	_ =	shalt  }
0x57: {  	_ =	shalt  }
0x58: {  	_ =	shalt  }
0x59: {  	_ =	shalt  }
0x5a: {  	_ =	shalt  }
0x5b: {  	_ =	shalt  }
0x5c: {  	_ =	shalt  }
0x5d: {  	_ =	shalt  }
0x5e: {  	_ =	shalt  }
0x5f: {  	_ =	shalt  }
0x60: {  	_ =	shalt  }
0x61: {  	_ =	shalt  }
0x62: {  	_ =	shalt  }
0x63: {  	_ =	shalt  }
0x64: {  	_ =	shalt  }
0x65: {  	_ =	shalt  }
0x66: {  	_ =	shalt  }
0x67: {  	_ =	shalt  }
0x68: {  	_ =	shalt  }
0x69: {  	_ =	shalt  }
0x6a: {  	_ =	shalt  }
0x6b: {  	_ =	shalt  }
0x6c: {  	_ =	shalt  }
0x6d: {  	_ =	shalt  }
0x6e: {  	_ =	shalt  }
0x6f: {  	_ =	shalt  }
0x70: {  	_ =	shalt  }
0x71: {  	_ =	shalt  }
0x72: {  	_ =	shalt  }
0x73: {  	_ =	shalt  }
0x74: {  	_ =	shalt  }
0x75: {  	_ =	shalt  }
0x76: {  	_ =	shalt  }
0x77: {  	_ =	shalt  }
0x78: {  	_ =	shalt  }
0x79: {  	_ =	shalt  }
0x7a: {  	_ =	shalt  }
0x7b: {  	_ =	shalt  }
0x7c: {  	_ =	shalt  }
0x7d: {  	_ =	shalt  }
0x7e: {  	_ =	shalt  }
0x7f: {  	_ =	shalt  }
0x80: {  	_ =	shalt  }
0x81: {  	_ =	shalt  }
0x82: {  	_ =	shalt  }
0x83: {  	_ =	shalt  }
0x84: {  	_ =	shalt  }
0x85: {  	_ =	shalt  }
0x86: {  	_ =	shalt  }
0x87: {  	_ =	shalt  }
.Lfunc_end0:
.L_simem_size_0:
called_computation_lowered:
.L_overlay_start_0:
0x88: {  	s2 =	sld [smem:$0x3FD9]  }
0x89: {  	s3 =	sld [smem:$0x3FFE];
	_ =	sdelay $0x1  }
0x8a: {  	s1 =	srdreg.scid  }
0x8b: {  	s0 =	sand.u32 $0x1, s1  }
0x8c: {  	s17 =	sshll.u32 s0, $0xA;
	s2 =	sadd.s32 s3, s2  }
0x8d: {  	s2 =	sadd.s32 s2, s17  }
0x8e: {  	[smem:$0x3FC6] =	sst s2  }
0x8f: {  	_ = 	snop  }
0x90: {  	s2 =	sld [smem:$0x3FC8]  }
0x91: {  	s18 =	sld [smem:$0x3FD0];
	(tm) =	ssettm $0x1  }
0x92: {  	s4 =	sld [smem:$0x3FFB];
	_ =	sdelay $0x3  }
0x93: {  	_ =	strace s4  }
0x94: {  	s4 =	sld [smem:$0x3FFC];
	_ =	sdelay $0x3  }
0x95: {  	_ =	strace s4  }
0x96: {  	s4 =	sld [smem:$0x3FFD];
	_ =	sdelay $0x3  }
0x97: {  	_ =	strace s4  }
0x98: {  	_ =	strace $0x8FFFFFFF  }
0x99: {  	s19 =	sld [smem:$0x3FDB];
	_ =	sdelay $0x1  }
0x9a: {  	s5 =	simm.s32 $_scs_section_size  }
0x9b: {  	s6 =	simm.s32 $_size__tile_overlayer_lowered;
	s7 =	simm.s32 $_tile_overlayer_lowered  }
0x9c: {  	s22 =	simm.s32 $0x1BFF;
	s21 =	sshll.u32 s7, $0x1;
	s4 =	sadd.s32 s5, s19  }
0x9d: {  	s8 =	simm.s32 $0x0;
	s20 =	sshll.u32 s6, $0x1;
	s6 =	sadd.s32 s21, s4  }
0x9e: {  	[timem:s8], [sflag:s22] =	dma.local [hbm:s6], s20  }
0x9f: {  	_ =	swait.ge [sflag:s22], s20  }
0xa0: {  	s5 =	ssub.s32 $0x0, s20;
	[sflag:s22] =	ssyncset.done $0x0  }
0xa1: {  	[sflag:s22] =	ssyncadd.s32 s5;
	_ =	sdelay $0x1  }
0xa2: {  	s23 =	simm.s32 $0x1B8B  }
0xa3: {  	_ =	swait.ge [sflag:s23], $0x1  }
0xa4: {  	[sflag:s23] =	ssyncset.done $0x0  }
0xa5: {  	s25 =	simm.s32 $0x1B8E;
	s24 =	sld [smem:$0x3FFE];
	[sflag:s23] =	ssyncadd.s32 $0xFFFFFFFF  }
0xa6: {  	s26 =	simm.s32 $execute0_lowered;
	[smem:$0x3FD2] =	sst s25  }
0xa7: {  	s6 =	sshll.u32 s26, $0x1;
	_ =	strace $0x80000046;
	[dreg:$0x1] =	wrdreg $0xFFFFFFFF  }
0xa8: {  	s28 =	simm.s32 $_size_execute0_lowered;
	s4 =	sadd.s32 s4, s6;
	[dreg:$0x0] =	wrdreg $0x0  }
0xa9: {  	s6 =	sshll.u32 s28, $0x1;
	[dreg:$0x2] =	wrdreg s4  }
0xaa: {  	[dreg:$0x3] =	wrdreg s6  }
0xab: {  	[dreg:$0x4] =	wrdreg $0xC0  }
0xac: {  	_ =	task [dreg:s8], $0x5FFFF  }
0xad: {  	[dreg:$0x1] =	wrdreg $0xFFFFFFFF  }
0xae: {  	[dreg:$0x0] =	wrdreg $0x60  }
0xaf: {  	[dreg:$0x2] =	wrdreg s24  }
0xb0: {  	[dreg:$0x3] =	wrdreg s2  }
0xb1: {  	[dreg:$0x4] =	wrdreg s18  }
0xb2: {  	[dreg:$0x5] =	wrdreg $0x9  }
0xb3: {  	_ =	task.clear_ibuf [dreg:s8], $0x6FFFF;
	_ =	strace $0x90000046  }
0xb4: {  	s29 =	simm.s32 $0x9;
	_ =	strace $0x80000048  }
0xb5: {  	_ =	swait.ge [sflag:s29], $0x1  }
0xb6: {  	[sflag:s29] =	ssyncadd.s32 $0xFFFFFFFF  }
0xb7: {  	_ =	strace $0x90000048  }
0xb8: {  	_ =	sfence  }
0xb9: {  	s30 =	sld [smem:$0x0];
	_ =	sdelay $0x2  }
0xba: {  	s31 =	sshll.u32 s1, $0xD;
	s1 =	sshrl.u32 s1, $0x2  }
0xbb: {  	s3 =	sand.u32 $0x4000, s31;
	s1 =	sadd.s32 s1, s30  }
0xbc: {  	s0 =	sor.u32 s3, s0;
	s1 =	sshll.u32 s1, $0x11  }
0xbd: {  	s0 =	sor.u32 s1, s0  }
0xbe: {  	s0 =	sadd.s32 $0x8F2B, s0  }
0xbf: {  	[sflag:s0] =	ssyncadd.remote.s32 $0x1  }
0xc0: {  	_ =	sfence.sel $0xFFFF  }
0xc1: {  	[dreg:$0x0] =	wrdreg $0xFFFFFFFF;
	(pc) =	sbr.abs _section_cstart, $3  }
0xc2: {  	[dreg:$0x1] =	wrdreg $0xFFFFFFFF  }
0xc3: {  	_ =	task.clear_ibuf [dreg:s8], $0x2FFFF;
	_ =	strace $0x9FFFFFFF  }
0xc4: {  	(tm) =	ssettm $0x7FFFFFFF  }
0xc5: {  	_ =	shalt  }
tec
execute0_lowered:
.L_overlay_start_1:
0x0: {  	(tag) =	ssettag $0x1  }
0x1: {  	s0 =	rddreg [dreg:$0x0]  }
0x2: {  	s1 =	rddreg [dreg:$0x1]  }
0x3: {  	s4 =	rddreg [dreg:$0x2];
	s2 =	simm.s32 $0x0;
	s3 =	srdreg.scid  }
0x4: {  	s6 =	stileid.u32;
	s9 =	simm.s32 $0x1;
	s10 =	simm.s32 $0x2  }
0x5: {  	s11 =	simm.s32 $0x400;
	s12 =	simm.s32 $0x800;
	s13 =	simm.s32 $0xC00  }
0x6: {  	s14 =	simm.s32 $0x1000;
	s15 =	simm.s32 $0x1400;
	s16 =	simm.s32 $0x1800  }
0x7: {  	s17 =	simm.s32 $0x1C00;
	s18 =	simm.s32 $0x10000;
	s20 =	simm.s32 $0x2000  }
0x8: {  	s21 =	simm.s32 $0x2400;
	s22 =	simm.s32 $0x2800;
	s23 =	simm.s32 $0x2C00  }
0x9: {  	s24 =	simm.s32 $0x3000;
	s25 =	simm.s32 $0x3400;
	s26 =	simm.s32 $0x3800  }
0xa: {  	s28 =	simm.s32 $0x3C00;
	s29 =	simm.s32 $0x3;
	s31 =	simm.s32 $0x4  }
0xb: {  	[smem:$0x7FF] =	sst s2;
	s3 =	sand.u32 $0x1, s3;
	s6 =	sshll.u32 s6, $0x9  }
0xc: {  	s5 =	ssub.s32 $0x2, s3;
	s3 =	sshll.u32 s3, $0x8;
	_ =	strace $0x80000047  }
0xd: {  	s7 =	sshrl.u32 s5, $0x1;
	s6 =	sor.u32 s3, s6;
	s3 =	sadd.s32 $0x400, s0  }
0xe: {  	s0 =	simm.s32 $0x0;
	s30 =	ssub.s32 s5, s7;
	s4 =	sadd.s32 s4, s6  }
0xf: {  	s5 =	sadd.s32 s1, s6;
	s6 =	sadd.s32 $0x10000, s4;
	s7 =	smax.u32 s30, $0x1  }
.LBB2_1:
0x10: {  	[tilespmem:s2], [sflag:$0x1] =	stream.linear.gather [hbm4b:s3+s2], $0x4000, $0x38;
	[tilespmem:$0xC800] =	vst v63  }
0x11: {  	s1 =	simm.s32 $0x4000  }
0x12: {  	[tilespmem:s1], [sflag:$0x2] =	stream.linear.gather [hbm4b:s5+s2], $0x800, $0x38;
	[tilespmem:$0xC800] =	vst v63  }
0x13: {  	_ =	swait.ge [sflag:s9], $0x4000  }
0x14: {  	[sflag:s9] =	ssyncset.done $0x0  }
0x15: {  	[sflag:s9] =	ssyncadd.s32 $0xFFFFC000  }
0x16: {  	_ =	swait.ge [sflag:s10], $0x800  }
0x17: {  	[sflag:s10] =	ssyncset.done $0x0  }
0x18: {  	s8 =	simm.s32 $0x4400;
	[sflag:s10] =	ssyncadd.s32 $0xFFFFF800  }
0x19: {  	v15 =	vld [tilespmem:s8+$0x70]  }
0x1a: {  	v13 =	vld [tilespmem:s8+$0xFFFFFC10]  }
0x1b: {  	v12 =	vld [tilespmem:s8+$0xFFFFFC20]  }
0x1c: {  	v11 =	vld [tilespmem:s8+$0xFFFFFC30]  }
0x1d: {  	v10 =	vld [tilespmem:s8+$0xFFFFFC40]  }
0x1e: {  	v9 =	vld [tilespmem:s8+$0xFFFFFC50]  }
0x1f: {  	v8 =	vld [tilespmem:s8+$0xFFFFFC60]  }
0x20: {  	v6 =	vld [tilespmem:s8+$0xFFFFFC70]  }
0x21: {  	v7 =	vld [tilespmem:s8+$0x0]  }
0x22: {  	v5 =	vld [tilespmem:s8+$0x10]  }
0x23: {  	v4 =	vld [tilespmem:s8+$0x20]  }
0x24: {  	v2 =	vld [tilespmem:s8+$0x30]  }
0x25: {  	v3 =	vld [tilespmem:s8+$0x40]  }
0x26: {  	v0 =	vld [tilespmem:s8+$0x50]  }
0x27: {  	v14 =	vld [tilespmem:s8+$0xFFFFFC00]  }
0x28: {  	v1 =	vld.idx.msk [tilespmem:v15+s2+$0x0], $0xffff  }
0x29: {  	v17 =	vld.idx.msk [tilespmem:v13+s2+$0x0], $0xffff  }
0x2a: {  	v18 =	vld.idx.msk [tilespmem:v12+s2+$0x0], $0xffff  }
0x2b: {  	v19 =	vld.idx.msk [tilespmem:v11+s2+$0x0], $0xffff  }
0x2c: {  	v20 =	vld.idx.msk [tilespmem:v10+s2+$0x0], $0xffff  }
0x2d: {  	v21 =	vld.idx.msk [tilespmem:v9+s2+$0x0], $0xffff  }
0x2e: {  	s1 =	simm.s32 $0x6800;
	v47 =	vld.idx.msk [tilespmem:v8+s2+$0x0], $0xffff  }
0x2f: {  	v22 =	vld.idx.msk [tilespmem:v14+s2+$0x0], $0xffff;
	[tilespmem:s1+$0xFFFFE470] =	vst v1  }
0x30: {  	v48 =	vld.idx.msk [tilespmem:v6+s2+$0x0], $0xffff;
	[tilespmem:s1+$0xFFFFE010] =	vst v17  }
0x31: {  	v49 =	vld.idx.msk [tilespmem:v7+s2+$0x0], $0xffff;
	[tilespmem:s1+$0xFFFFE020] =	vst v18  }
0x32: {  	v50 =	vld.idx.msk [tilespmem:v5+s2+$0x0], $0xffff;
	[tilespmem:s1+$0xFFFFE030] =	vst v19  }
0x33: {  	v51 =	vld.idx.msk [tilespmem:v4+s2+$0x0], $0xffff;
	[tilespmem:s1+$0xFFFFE040] =	vst v20  }
0x34: {  	v52 =	vld.idx.msk [tilespmem:v2+s2+$0x0], $0xffff;
	[tilespmem:s1+$0xFFFFE050] =	vst v21  }
0x35: {  	v53 =	vld.idx.msk [tilespmem:v3+s2+$0x0], $0xffff;
	[tilespmem:s1+$0xFFFFE060] =	vst v47  }
0x36: {  	v54 =	vld.idx.msk [tilespmem:v0+s2+$0x0], $0xffff;
	[tilespmem:s1+$0xFFFFE000] =	vst v22  }
0x37: {  	v1 =	vld [tilespmem:s8+$0x60];
	[tilespmem:s1+$0xFFFFE070] =	vst v48  }
0x38: {  	[tilespmem:s1+$0xFFFFE400] =	vst v49;
	v16 =	vld.idx.msk [tilespmem:v15+s11+$0x0], $0xffff  }
0x39: {  	[tilespmem:s1+$0xFFFFE410] =	vst v50;
	v22 =	vld.idx.msk [tilespmem:v14+s11+$0x0], $0xffff  }
0x3a: {  	[tilespmem:s1+$0xFFFFE420] =	vst v51;
	v56 =	vld.idx.msk [tilespmem:v13+s11+$0x0], $0xffff  }
0x3b: {  	[tilespmem:s1+$0xFFFFE430] =	vst v52;
	v57 =	vld.idx.msk [tilespmem:v12+s11+$0x0], $0xffff  }
0x3c: {  	[tilespmem:s1+$0xFFFFE440] =	vst v53;
	v58 =	vld.idx.msk [tilespmem:v11+s11+$0x0], $0xffff  }
0x3d: {  	[tilespmem:s1+$0xFFFFE450] =	vst v54;
	v59 =	vld.idx.msk [tilespmem:v10+s11+$0x0], $0xffff  }
0x3e: {  	v60 =	vld.idx.msk [tilespmem:v9+s11+$0x0], $0xffff;
	[tilespmem:s1+$0xFFFFEC70] =	vst v16  }
0x3f: {  	v61 =	vld.idx.msk [tilespmem:v8+s11+$0x0], $0xffff;
	[tilespmem:s1+$0xFFFFE800] =	vst v22  }
0x40: {  	v62 =	vld.idx.msk [tilespmem:v6+s11+$0x0], $0xffff;
	[tilespmem:s1+$0xFFFFE810] =	vst v56  }
0x41: {  	v63 =	vld.idx.msk [tilespmem:v7+s11+$0x0], $0xffff;
	[tilespmem:s1+$0xFFFFE820] =	vst v57  }
0x42: {  	v24 =	vld.idx.msk [tilespmem:v5+s11+$0x0], $0xffff;
	[tilespmem:s1+$0xFFFFE830] =	vst v58  }
0x43: {  	v25 =	vld.idx.msk [tilespmem:v4+s11+$0x0], $0xffff;
	[tilespmem:s1+$0xFFFFE840] =	vst v59  }
0x44: {  	v26 =	vld.idx.msk [tilespmem:v2+s11+$0x0], $0xffff;
	[tilespmem:s1+$0xFFFFE850] =	vst v60  }
0x45: {  	v27 =	vld.idx.msk [tilespmem:v3+s11+$0x0], $0xffff;
	[tilespmem:s1+$0xFFFFE860] =	vst v61  }
0x46: {  	v28 =	vld.idx.msk [tilespmem:v0+s11+$0x0], $0xffff;
	[tilespmem:s1+$0xFFFFE870] =	vst v62  }
0x47: {  	[tilespmem:s1+$0xFFFFEC00] =	vst v63;
	v16 =	vld.idx.msk [tilespmem:v15+s12+$0x0], $0xffff  }
0x48: {  	[tilespmem:s1+$0xFFFFEC10] =	vst v24;
	v30 =	vld.idx.msk [tilespmem:v14+s12+$0x0], $0xffff  }
0x49: {  	[tilespmem:s1+$0xFFFFEC20] =	vst v25;
	v31 =	vld.idx.msk [tilespmem:v13+s12+$0x0], $0xffff  }
0x4a: {  	[tilespmem:s1+$0xFFFFEC30] =	vst v26;
	v32 =	vld.idx.msk [tilespmem:v12+s12+$0x0], $0xffff  }
0x4b: {  	[tilespmem:s1+$0xFFFFEC40] =	vst v27;
	v33 =	vld.idx.msk [tilespmem:v11+s12+$0x0], $0xffff  }
0x4c: {  	[tilespmem:s1+$0xFFFFEC50] =	vst v28;
	v34 =	vld.idx.msk [tilespmem:v10+s12+$0x0], $0xffff  }
0x4d: {  	v35 =	vld.idx.msk [tilespmem:v9+s12+$0x0], $0xffff;
	[tilespmem:s1+$0xFFFFF470] =	vst v16  }
0x4e: {  	v36 =	vld.idx.msk [tilespmem:v8+s12+$0x0], $0xffff;
	[tilespmem:s1+$0xFFFFF000] =	vst v30  }
0x4f: {  	v37 =	vld.idx.msk [tilespmem:v6+s12+$0x0], $0xffff;
	[tilespmem:s1+$0xFFFFF010] =	vst v31  }
0x50: {  	v38 =	vld.idx.msk [tilespmem:v7+s12+$0x0], $0xffff;
	[tilespmem:s1+$0xFFFFF020] =	vst v32  }
0x51: {  	v39 =	vld.idx.msk [tilespmem:v5+s12+$0x0], $0xffff;
	[tilespmem:s1+$0xFFFFF030] =	vst v33  }
0x52: {  	v40 =	vld.idx.msk [tilespmem:v4+s12+$0x0], $0xffff;
	[tilespmem:s1+$0xFFFFF040] =	vst v34  }
0x53: {  	v41 =	vld.idx.msk [tilespmem:v2+s12+$0x0], $0xffff;
	[tilespmem:s1+$0xFFFFF050] =	vst v35  }
0x54: {  	v42 =	vld.idx.msk [tilespmem:v3+s12+$0x0], $0xffff;
	[tilespmem:s1+$0xFFFFF060] =	vst v36  }
0x55: {  	v43 =	vld.idx.msk [tilespmem:v0+s12+$0x0], $0xffff;
	[tilespmem:s1+$0xFFFFF070] =	vst v37  }
0x56: {  	v55 =	vld.idx.msk [tilespmem:v1+s2+$0x0], $0xffff;
	[tilespmem:s1+$0xFFFFF400] =	vst v38  }
0x57: {  	[tilespmem:s1+$0xFFFFF410] =	vst v39;
	v16 =	vld.idx.msk [tilespmem:v15+s13+$0x0], $0xffff  }
0x58: {  	[tilespmem:s1+$0xFFFFF420] =	vst v40;
	v45 =	vld.idx.msk [tilespmem:v14+s13+$0x0], $0xffff  }
0x59: {  	[tilespmem:s1+$0xFFFFF430] =	vst v41;
	v46 =	vld.idx.msk [tilespmem:v13+s13+$0x0], $0xffff  }
0x5a: {  	[tilespmem:s1+$0xFFFFF440] =	vst v42;
	v47 =	vld.idx.msk [tilespmem:v12+s13+$0x0], $0xffff  }
0x5b: {  	[tilespmem:s1+$0xFFFFF450] =	vst v43;
	v48 =	vld.idx.msk [tilespmem:v11+s13+$0x0], $0xffff  }
0x5c: {  	[tilespmem:s1+$0xFFFFE460] =	vst v55;
	v49 =	vld.idx.msk [tilespmem:v10+s13+$0x0], $0xffff  }
0x5d: {  	v50 =	vld.idx.msk [tilespmem:v9+s13+$0x0], $0xffff;
	[tilespmem:s1+$0xFFFFFC70] =	vst v16  }
0x5e: {  	v51 =	vld.idx.msk [tilespmem:v8+s13+$0x0], $0xffff;
	[tilespmem:s1+$0xFFFFF800] =	vst v45  }
0x5f: {  	v52 =	vld.idx.msk [tilespmem:v6+s13+$0x0], $0xffff;
	[tilespmem:s1+$0xFFFFF810] =	vst v46  }
0x60: {  	v53 =	vld.idx.msk [tilespmem:v7+s13+$0x0], $0xffff;
	[tilespmem:s1+$0xFFFFF820] =	vst v47  }
0x61: {  	v54 =	vld.idx.msk [tilespmem:v5+s13+$0x0], $0xffff;
	[tilespmem:s1+$0xFFFFF830] =	vst v48  }
0x62: {  	v55 =	vld.idx.msk [tilespmem:v4+s13+$0x0], $0xffff;
	[tilespmem:s1+$0xFFFFF840] =	vst v49  }
0x63: {  	v56 =	vld.idx.msk [tilespmem:v2+s13+$0x0], $0xffff;
	[tilespmem:s1+$0xFFFFF850] =	vst v50  }
0x64: {  	v57 =	vld.idx.msk [tilespmem:v3+s13+$0x0], $0xffff;
	[tilespmem:s1+$0xFFFFF860] =	vst v51  }
0x65: {  	v58 =	vld.idx.msk [tilespmem:v0+s13+$0x0], $0xffff;
	[tilespmem:s1+$0xFFFFF870] =	vst v52  }
0x66: {  	v29 =	vld.idx.msk [tilespmem:v1+s11+$0x0], $0xffff;
	[tilespmem:s1+$0xFFFFFC00] =	vst v53  }
0x67: {  	[tilespmem:s1+$0xFFFFFC10] =	vst v54;
	v16 =	vld.idx.msk [tilespmem:v15+s14+$0x0], $0xffff  }
0x68: {  	[tilespmem:s1+$0xFFFFFC20] =	vst v55;
	v60 =	vld.idx.msk [tilespmem:v14+s14+$0x0], $0xffff  }
0x69: {  	[tilespmem:s1+$0xFFFFFC30] =	vst v56;
	v61 =	vld.idx.msk [tilespmem:v13+s14+$0x0], $0xffff  }
0x6a: {  	[tilespmem:s1+$0xFFFFFC40] =	vst v57;
	v62 =	vld.idx.msk [tilespmem:v12+s14+$0x0], $0xffff  }
0x6b: {  	[tilespmem:s1+$0xFFFFFC50] =	vst v58;
	v63 =	vld.idx.msk [tilespmem:v11+s14+$0x0], $0xffff  }
0x6c: {  	[tilespmem:s1+$0xFFFFEC60] =	vst v29;
	v24 =	vld.idx.msk [tilespmem:v10+s14+$0x0], $0xffff  }
0x6d: {  	v25 =	vld.idx.msk [tilespmem:v9+s14+$0x0], $0xffff;
	[tilespmem:s1+$0x470] =	vst v16  }
0x6e: {  	v26 =	vld.idx.msk [tilespmem:v8+s14+$0x0], $0xffff;
	[tilespmem:s1+$0x0] =	vst v60  }
0x6f: {  	v27 =	vld.idx.msk [tilespmem:v6+s14+$0x0], $0xffff;
	[tilespmem:s1+$0x10] =	vst v61  }
0x70: {  	v28 =	vld.idx.msk [tilespmem:v7+s14+$0x0], $0xffff;
	[tilespmem:s1+$0x20] =	vst v62  }
0x71: {  	v29 =	vld.idx.msk [tilespmem:v5+s14+$0x0], $0xffff;
	[tilespmem:s1+$0x30] =	vst v63  }
0x72: {  	v30 =	vld.idx.msk [tilespmem:v4+s14+$0x0], $0xffff;
	[tilespmem:s1+$0x40] =	vst v24  }
0x73: {  	v31 =	vld.idx.msk [tilespmem:v2+s14+$0x0], $0xffff;
	[tilespmem:s1+$0x50] =	vst v25  }
0x74: {  	v32 =	vld.idx.msk [tilespmem:v3+s14+$0x0], $0xffff;
	[tilespmem:s1+$0x60] =	vst v26  }
0x75: {  	v33 =	vld.idx.msk [tilespmem:v0+s14+$0x0], $0xffff;
	[tilespmem:s1+$0x70] =	vst v27  }
0x76: {  	v44 =	vld.idx.msk [tilespmem:v1+s12+$0x0], $0xffff;
	[tilespmem:s1+$0x400] =	vst v28  }
0x77: {  	[tilespmem:s1+$0x410] =	vst v29;
	v16 =	vld.idx.msk [tilespmem:v15+s15+$0x0], $0xffff  }
0x78: {  	[tilespmem:s1+$0x420] =	vst v30;
	v21 =	vld.idx.msk [tilespmem:v14+s15+$0x0], $0xffff  }
0x79: {  	[tilespmem:s1+$0x430] =	vst v31;
	v35 =	vld.idx.msk [tilespmem:v13+s15+$0x0], $0xffff  }
0x7a: {  	[tilespmem:s1+$0x440] =	vst v32;
	v36 =	vld.idx.msk [tilespmem:v12+s15+$0x0], $0xffff  }
0x7b: {  	[tilespmem:s1+$0x450] =	vst v33;
	v37 =	vld.idx.msk [tilespmem:v11+s15+$0x0], $0xffff  }
0x7c: {  	[tilespmem:s1+$0xFFFFF460] =	vst v44;
	v38 =	vld.idx.msk [tilespmem:v10+s15+$0x0], $0xffff  }
0x7d: {  	v39 =	vld.idx.msk [tilespmem:v9+s15+$0x0], $0xffff;
	[tilespmem:s1+$0xC70] =	vst v16  }
0x7e: {  	v40 =	vld.idx.msk [tilespmem:v8+s15+$0x0], $0xffff;
	[tilespmem:s1+$0x800] =	vst v21  }
0x7f: {  	v41 =	vld.idx.msk [tilespmem:v6+s15+$0x0], $0xffff;
	[tilespmem:s1+$0x810] =	vst v35  }
0x80: {  	v42 =	vld.idx.msk [tilespmem:v7+s15+$0x0], $0xffff;
	[tilespmem:s1+$0x820] =	vst v36  }
0x81: {  	v43 =	vld.idx.msk [tilespmem:v5+s15+$0x0], $0xffff;
	[tilespmem:s1+$0x830] =	vst v37  }
0x82: {  	v44 =	vld.idx.msk [tilespmem:v4+s15+$0x0], $0xffff;
	[tilespmem:s1+$0x840] =	vst v38  }
0x83: {  	v45 =	vld.idx.msk [tilespmem:v2+s15+$0x0], $0xffff;
	[tilespmem:s1+$0x850] =	vst v39  }
0x84: {  	v46 =	vld.idx.msk [tilespmem:v3+s15+$0x0], $0xffff;
	[tilespmem:s1+$0x860] =	vst v40  }
0x85: {  	v47 =	vld.idx.msk [tilespmem:v0+s15+$0x0], $0xffff;
	[tilespmem:s1+$0x870] =	vst v41  }
0x86: {  	v59 =	vld.idx.msk [tilespmem:v1+s13+$0x0], $0xffff;
	[tilespmem:s1+$0xC00] =	vst v42  }
0x87: {  	[tilespmem:s1+$0xC10] =	vst v43;
	v16 =	vld.idx.msk [tilespmem:v15+s16+$0x0], $0xffff  }
0x88: {  	[tilespmem:s1+$0xC20] =	vst v44;
	v21 =	vld.idx.msk [tilespmem:v14+s16+$0x0], $0xffff  }
0x89: {  	[tilespmem:s1+$0xC30] =	vst v45;
	v49 =	vld.idx.msk [tilespmem:v13+s16+$0x0], $0xffff  }
0x8a: {  	[tilespmem:s1+$0xC40] =	vst v46;
	v50 =	vld.idx.msk [tilespmem:v12+s16+$0x0], $0xffff  }
0x8b: {  	[tilespmem:s1+$0xC50] =	vst v47;
	v51 =	vld.idx.msk [tilespmem:v11+s16+$0x0], $0xffff  }
0x8c: {  	[tilespmem:s1+$0xFFFFFC60] =	vst v59;
	v52 =	vld.idx.msk [tilespmem:v10+s16+$0x0], $0xffff  }
0x8d: {  	v53 =	vld.idx.msk [tilespmem:v9+s16+$0x0], $0xffff;
	[tilespmem:s1+$0x1470] =	vst v16  }
0x8e: {  	v54 =	vld.idx.msk [tilespmem:v8+s16+$0x0], $0xffff;
	[tilespmem:s1+$0x1000] =	vst v21  }
0x8f: {  	v55 =	vld.idx.msk [tilespmem:v6+s16+$0x0], $0xffff;
	[tilespmem:s1+$0x1010] =	vst v49  }
0x90: {  	v56 =	vld.idx.msk [tilespmem:v7+s16+$0x0], $0xffff;
	[tilespmem:s1+$0x1020] =	vst v50  }
0x91: {  	v57 =	vld.idx.msk [tilespmem:v5+s16+$0x0], $0xffff;
	[tilespmem:s1+$0x1030] =	vst v51  }
0x92: {  	v58 =	vld.idx.msk [tilespmem:v4+s16+$0x0], $0xffff;
	[tilespmem:s1+$0x1040] =	vst v52  }
0x93: {  	v59 =	vld.idx.msk [tilespmem:v2+s16+$0x0], $0xffff;
	[tilespmem:s1+$0x1050] =	vst v53  }
0x94: {  	v60 =	vld.idx.msk [tilespmem:v3+s16+$0x0], $0xffff;
	[tilespmem:s1+$0x1060] =	vst v54  }
0x95: {  	v61 =	vld.idx.msk [tilespmem:v0+s16+$0x0], $0xffff;
	[tilespmem:s1+$0x1070] =	vst v55  }
0x96: {  	v34 =	vld.idx.msk [tilespmem:v1+s14+$0x0], $0xffff;
	[tilespmem:s1+$0x1400] =	vst v56  }
0x97: {  	[tilespmem:s1+$0x1410] =	vst v57;
	v15 =	vld.idx.msk [tilespmem:v15+s17+$0x0], $0xffff  }
0x98: {  	[tilespmem:s1+$0x1420] =	vst v58;
	v14 =	vld.idx.msk [tilespmem:v14+s17+$0x0], $0xffff  }
0x99: {  	[tilespmem:s1+$0x1430] =	vst v59;
	v13 =	vld.idx.msk [tilespmem:v13+s17+$0x0], $0xffff  }
0x9a: {  	[tilespmem:s1+$0x1440] =	vst v60;
	v12 =	vld.idx.msk [tilespmem:v12+s17+$0x0], $0xffff  }
0x9b: {  	[tilespmem:s1+$0x460] =	vst v34;
	v11 =	vld.idx.msk [tilespmem:v11+s17+$0x0], $0xffff  }
0x9c: {  	[tilespmem:s1+$0x1450] =	vst v61;
	v48 =	vld.idx.msk [tilespmem:v1+s15+$0x0], $0xffff  }
0x9d: {  	v10 =	vld.idx.msk [tilespmem:v10+s17+$0x0], $0xffff;
	[tilespmem:s1+$0x1C70] =	vst v15  }
0x9e: {  	v9 =	vld.idx.msk [tilespmem:v9+s17+$0x0], $0xffff;
	[tilespmem:s1+$0x1800] =	vst v14  }
0x9f: {  	v8 =	vld.idx.msk [tilespmem:v8+s17+$0x0], $0xffff;
	[tilespmem:s1+$0x1810] =	vst v13  }
0xa0: {  	v63 =	vld.idx.msk [tilespmem:v6+s17+$0x0], $0xffff;
	[tilespmem:s1+$0x1820] =	vst v12  }
0xa1: {  	v7 =	vld.idx.msk [tilespmem:v7+s17+$0x0], $0xffff;
	[tilespmem:s1+$0xC60] =	vst v48  }
0xa2: {  	[tilespmem:s1+$0x1830] =	vst v11;
	v62 =	vld.idx.msk [tilespmem:v1+s16+$0x0], $0xffff  }
0xa3: {  	v5 =	vld.idx.msk [tilespmem:v5+s17+$0x0], $0xffff;
	[tilespmem:s1+$0x1840] =	vst v10  }
0xa4: {  	v6 =	vld.idx.msk [tilespmem:v4+s17+$0x0], $0xffff;
	[tilespmem:s1+$0x1850] =	vst v9  }
0xa5: {  	v2 =	vld.idx.msk [tilespmem:v2+s17+$0x0], $0xffff;
	[tilespmem:s1+$0x1860] =	vst v8  }
0xa6: {  	v3 =	vld.idx.msk [tilespmem:v3+s17+$0x0], $0xffff;
	[tilespmem:s1+$0x1870] =	vst v63  }
0xa7: {  	v0 =	vld.idx.msk [tilespmem:v0+s17+$0x0], $0xffff;
	[tilespmem:s1+$0x1460] =	vst v62  }
0xa8: {  	s19 =	simm.s32 $0x4480;
	s8 =	simm.s32 $0x0;
	[tilespmem:s1+$0x1C00] =	vst v7;
	v1 =	vld.idx.msk [tilespmem:v1+s17+$0x0], $0xffff  }
.LBB2_2:
0xa9: {  	v15 =	vld [tilespmem:s19+$0x70];
	s8 =	sadd.s32 $0x10, s8;
	[tilespmem:s1+$0x1C10] =	vst v5  }
0xaa: {  	v7 =	vld [tilespmem:s19+$0xFFFFFC10];
	p0 =	slt.u32 s8, $0x70;
	[tilespmem:s1+$0x1C20] =	vst v6  }
0xab: {  	v10 =	vld [tilespmem:s19+$0xFFFFFC20];
	[tilespmem:s1+$0x1C30] =	vst v2  }
0xac: {  	v11 =	vld [tilespmem:s19+$0xFFFFFC30];
	[tilespmem:s1+$0x1C40] =	vst v3  }
0xad: {  	v12 =	vld [tilespmem:s19+$0xFFFFFC40];
	[tilespmem:s1+$0x1C50] =	vst v0  }
0xae: {  	v13 =	vld [tilespmem:s19+$0xFFFFFC50];
	[tilespmem:s1+$0x1C60] =	vst v1  }
0xaf: {  	v8 =	vld [tilespmem:s19+$0xFFFFFC60]  }
0xb0: {  	v5 =	vld [tilespmem:s19+$0xFFFFFC70]  }
0xb1: {  	v4 =	vld.idx.msk [tilespmem:v15+s2+$0x0], $0xffff  }
0xb2: {  	v9 =	vld [tilespmem:s19+$0x0]  }
0xb3: {  	v6 =	vld [tilespmem:s19+$0x10]  }
0xb4: {  	v3 =	vld [tilespmem:s19+$0x20]  }
0xb5: {  	v2 =	vld [tilespmem:s19+$0x30]  }
0xb6: {  	s1 =	sadd.s32 $0x80, s1;
	v0 =	vld [tilespmem:s19+$0x40]  }
0xb7: {  	v1 =	vld [tilespmem:s19+$0x50];
	[tilespmem:s1+$0xFFFFE470] =	vst v4  }
0xb8: {  	v16 =	vld.idx.msk [tilespmem:v15+s11+$0x0], $0xffff  }
0xb9: {  	v4 =	vld [tilespmem:s19+$0x60]  }
0xba: {  	v14 =	vld [tilespmem:s19+$0xFFFFFC00]  }
0xbb: {  	v17 =	vld.idx.msk [tilespmem:v7+s2+$0x0], $0xffff  }
0xbc: {  	v18 =	vld.idx.msk [tilespmem:v10+s2+$0x0], $0xffff  }
0xbd: {  	v19 =	vld.idx.msk [tilespmem:v11+s2+$0x0], $0xffff  }
0xbe: {  	v20 =	vld.idx.msk [tilespmem:v12+s2+$0x0], $0xffff;
	[tilespmem:s1+$0xFFFFEC70] =	vst v16  }
0xbf: {  	v16 =	vld.idx.msk [tilespmem:v15+s12+$0x0], $0xffff  }
0xc0: {  	v21 =	vld.idx.msk [tilespmem:v13+s2+$0x0], $0xffff  }
0xc1: {  	[tilespmem:s1+$0xFFFFE010] =	vst v17;
	v17 =	vld.idx.msk [tilespmem:v8+s2+$0x0], $0xffff  }
0xc2: {  	v22 =	vld.idx.msk [tilespmem:v14+s2+$0x0], $0xffff;
	[tilespmem:s1+$0xFFFFE020] =	vst v18  }
0xc3: {  	[tilespmem:s1+$0xFFFFE030] =	vst v19;
	v18 =	vld.idx.msk [tilespmem:v5+s2+$0x0], $0xffff  }
0xc4: {  	[tilespmem:s1+$0xFFFFE040] =	vst v20;
	v19 =	vld.idx.msk [tilespmem:v9+s2+$0x0], $0xffff  }
0xc5: {  	v20 =	vld.idx.msk [tilespmem:v6+s2+$0x0], $0xffff;
	[tilespmem:s1+$0xFFFFF470] =	vst v16  }
0xc6: {  	[tilespmem:s1+$0xFFFFE050] =	vst v21;
	v16 =	vld.idx.msk [tilespmem:v15+s13+$0x0], $0xffff  }
0xc7: {  	[tilespmem:s1+$0xFFFFE060] =	vst v17;
	v17 =	vld.idx.msk [tilespmem:v3+s2+$0x0], $0xffff  }
0xc8: {  	[tilespmem:s1+$0xFFFFE000] =	vst v22;
	v21 =	vld.idx.msk [tilespmem:v2+s2+$0x0], $0xffff  }
0xc9: {  	[tilespmem:s1+$0xFFFFE070] =	vst v18;
	v18 =	vld.idx.msk [tilespmem:v0+s2+$0x0], $0xffff  }
0xca: {  	[tilespmem:s1+$0xFFFFE400] =	vst v19;
	v19 =	vld.idx.msk [tilespmem:v1+s2+$0x0], $0xffff  }
0xcb: {  	[tilespmem:s1+$0xFFFFE410] =	vst v20;
	v20 =	vld.idx.msk [tilespmem:v4+s2+$0x0], $0xffff  }
0xcc: {  	v22 =	vld.idx.msk [tilespmem:v14+s11+$0x0], $0xffff;
	[tilespmem:s1+$0xFFFFFC70] =	vst v16  }
0xcd: {  	[tilespmem:s1+$0xFFFFE420] =	vst v17;
	v16 =	vld.idx.msk [tilespmem:v15+s14+$0x0], $0xffff  }
0xce: {  	v17 =	vld.idx.msk [tilespmem:v7+s11+$0x0], $0xffff;
	[tilespmem:s1+$0xFFFFE430] =	vst v21  }
0xcf: {  	v21 =	vld.idx.msk [tilespmem:v10+s11+$0x0], $0xffff;
	[tilespmem:s1+$0xFFFFE440] =	vst v18  }
0xd0: {  	v18 =	vld.idx.msk [tilespmem:v11+s11+$0x0], $0xffff;
	[tilespmem:s1+$0xFFFFE450] =	vst v19  }
0xd1: {  	v19 =	vld.idx.msk [tilespmem:v12+s11+$0x0], $0xffff;
	[tilespmem:s1+$0xFFFFE460] =	vst v20  }
0xd2: {  	[tilespmem:s1+$0xFFFFE800] =	vst v22;
	v20 =	vld.idx.msk [tilespmem:v13+s11+$0x0], $0xffff  }
0xd3: {  	v22 =	vld.idx.msk [tilespmem:v8+s11+$0x0], $0xffff;
	[tilespmem:s1+$0x470] =	vst v16  }
0xd4: {  	[tilespmem:s1+$0xFFFFE810] =	vst v17;
	v16 =	vld.idx.msk [tilespmem:v15+s15+$0x0], $0xffff  }
0xd5: {  	[tilespmem:s1+$0xFFFFE820] =	vst v21;
	v17 =	vld.idx.msk [tilespmem:v5+s11+$0x0], $0xffff  }
0xd6: {  	[tilespmem:s1+$0xFFFFE830] =	vst v18;
	v18 =	vld.idx.msk [tilespmem:v9+s11+$0x0], $0xffff  }
0xd7: {  	[tilespmem:s1+$0xFFFFE840] =	vst v19;
	v19 =	vld.idx.msk [tilespmem:v6+s11+$0x0], $0xffff  }
0xd8: {  	[tilespmem:s1+$0xFFFFE850] =	vst v20;
	v20 =	vld.idx.msk [tilespmem:v3+s11+$0x0], $0xffff  }
0xd9: {  	[tilespmem:s1+$0xFFFFE860] =	vst v22;
	v21 =	vld.idx.msk [tilespmem:v2+s11+$0x0], $0xffff  }
0xda: {  	v22 =	vld.idx.msk [tilespmem:v0+s11+$0x0], $0xffff;
	[tilespmem:s1+$0xC70] =	vst v16  }
0xdb: {  	[tilespmem:s1+$0xFFFFE870] =	vst v17;
	v16 =	vld.idx.msk [tilespmem:v15+s16+$0x0], $0xffff  }
0xdc: {  	[tilespmem:s1+$0xFFFFEC00] =	vst v18;
	v17 =	vld.idx.msk [tilespmem:v1+s11+$0x0], $0xffff  }
0xdd: {  	[tilespmem:s1+$0xFFFFEC10] =	vst v19;
	v18 =	vld.idx.msk [tilespmem:v4+s11+$0x0], $0xffff  }
0xde: {  	v19 =	vld.idx.msk [tilespmem:v14+s12+$0x0], $0xffff;
	[tilespmem:s1+$0xFFFFEC20] =	vst v20  }
0xdf: {  	v20 =	vld.idx.msk [tilespmem:v7+s12+$0x0], $0xffff;
	[tilespmem:s1+$0xFFFFEC30] =	vst v21  }
0xe0: {  	v21 =	vld.idx.msk [tilespmem:v10+s12+$0x0], $0xffff;
	[tilespmem:s1+$0xFFFFEC40] =	vst v22  }
0xe1: {  	v22 =	vld.idx.msk [tilespmem:v11+s12+$0x0], $0xffff;
	[tilespmem:s1+$0x1470] =	vst v16  }
0xe2: {  	[tilespmem:s1+$0xFFFFEC50] =	vst v17;
	v15 =	vld.idx.msk [tilespmem:v15+s17+$0x0], $0xffff  }
0xe3: {  	v16 =	vld.idx.msk [tilespmem:v12+s12+$0x0], $0xffff;
	[tilespmem:s1+$0xFFFFEC60] =	vst v18  }
0xe4: {  	[tilespmem:s1+$0xFFFFF000] =	vst v19;
	v17 =	vld.idx.msk [tilespmem:v13+s12+$0x0], $0xffff  }
0xe5: {  	[tilespmem:s1+$0xFFFFF010] =	vst v20;
	v18 =	vld.idx.msk [tilespmem:v8+s12+$0x0], $0xffff  }
0xe6: {  	[tilespmem:s1+$0xFFFFF020] =	vst v21;
	v19 =	vld.idx.msk [tilespmem:v5+s12+$0x0], $0xffff  }
0xe7: {  	[tilespmem:s1+$0xFFFFF030] =	vst v22;
	v20 =	vld.idx.msk [tilespmem:v9+s12+$0x0], $0xffff  }
0xe8: {  	v21 =	vld.idx.msk [tilespmem:v6+s12+$0x0], $0xffff;
	[tilespmem:s1+$0x1C70] =	vst v15  }
0xe9: {  	[tilespmem:s1+$0xFFFFF040] =	vst v16;
	v15 =	vld.idx.msk [tilespmem:v3+s12+$0x0], $0xffff  }
0xea: {  	[tilespmem:s1+$0xFFFFF050] =	vst v17;
	v16 =	vld.idx.msk [tilespmem:v2+s12+$0x0], $0xffff  }
0xeb: {  	[tilespmem:s1+$0xFFFFF060] =	vst v18;
	v17 =	vld.idx.msk [tilespmem:v0+s12+$0x0], $0xffff  }
0xec: {  	[tilespmem:s1+$0xFFFFF070] =	vst v19;
	v18 =	vld.idx.msk [tilespmem:v1+s12+$0x0], $0xffff  }
0xed: {  	[tilespmem:s1+$0xFFFFF400] =	vst v20;
	v19 =	vld.idx.msk [tilespmem:v4+s12+$0x0], $0xffff  }
0xee: {  	v20 =	vld.idx.msk [tilespmem:v14+s13+$0x0], $0xffff;
	[tilespmem:s1+$0xFFFFF410] =	vst v21  }
0xef: {  	v21 =	vld.idx.msk [tilespmem:v7+s13+$0x0], $0xffff;
	[tilespmem:s1+$0xFFFFF420] =	vst v15  }
0xf0: {  	v15 =	vld.idx.msk [tilespmem:v10+s13+$0x0], $0xffff;
	[tilespmem:s1+$0xFFFFF430] =	vst v16  }
0xf1: {  	v16 =	vld.idx.msk [tilespmem:v11+s13+$0x0], $0xffff;
	[tilespmem:s1+$0xFFFFF440] =	vst v17  }
0xf2: {  	v17 =	vld.idx.msk [tilespmem:v12+s13+$0x0], $0xffff;
	[tilespmem:s1+$0xFFFFF450] =	vst v18  }
0xf3: {  	v18 =	vld.idx.msk [tilespmem:v13+s13+$0x0], $0xffff;
	[tilespmem:s1+$0xFFFFF460] =	vst v19  }
0xf4: {  	[tilespmem:s1+$0xFFFFF800] =	vst v20;
	v19 =	vld.idx.msk [tilespmem:v8+s13+$0x0], $0xffff  }
0xf5: {  	[tilespmem:s1+$0xFFFFF810] =	vst v21;
	v20 =	vld.idx.msk [tilespmem:v5+s13+$0x0], $0xffff  }
0xf6: {  	[tilespmem:s1+$0xFFFFF820] =	vst v15;
	v15 =	vld.idx.msk [tilespmem:v9+s13+$0x0], $0xffff  }
0xf7: {  	[tilespmem:s1+$0xFFFFF830] =	vst v16;
	v16 =	vld.idx.msk [tilespmem:v6+s13+$0x0], $0xffff  }
0xf8: {  	[tilespmem:s1+$0xFFFFF840] =	vst v17;
	v17 =	vld.idx.msk [tilespmem:v3+s13+$0x0], $0xffff  }
0xf9: {  	[tilespmem:s1+$0xFFFFF850] =	vst v18;
	v18 =	vld.idx.msk [tilespmem:v2+s13+$0x0], $0xffff  }
0xfa: {  	[tilespmem:s1+$0xFFFFF860] =	vst v19;
	v19 =	vld.idx.msk [tilespmem:v0+s13+$0x0], $0xffff  }
0xfb: {  	[tilespmem:s1+$0xFFFFF870] =	vst v20;
	v20 =	vld.idx.msk [tilespmem:v1+s13+$0x0], $0xffff  }
0xfc: {  	[tilespmem:s1+$0xFFFFFC00] =	vst v15;
	v15 =	vld.idx.msk [tilespmem:v4+s13+$0x0], $0xffff  }
0xfd: {  	v21 =	vld.idx.msk [tilespmem:v14+s14+$0x0], $0xffff;
	[tilespmem:s1+$0xFFFFFC10] =	vst v16  }
0xfe: {  	v16 =	vld.idx.msk [tilespmem:v7+s14+$0x0], $0xffff;
	[tilespmem:s1+$0xFFFFFC20] =	vst v17  }
0xff: {  	v17 =	vld.idx.msk [tilespmem:v10+s14+$0x0], $0xffff;
	[tilespmem:s1+$0xFFFFFC30] =	vst v18  }
0x100: {  	v18 =	vld.idx.msk [tilespmem:v11+s14+$0x0], $0xffff;
	[tilespmem:s1+$0xFFFFFC40] =	vst v19  }
0x101: {  	v19 =	vld.idx.msk [tilespmem:v12+s14+$0x0], $0xffff;
	[tilespmem:s1+$0xFFFFFC50] =	vst v20  }
0x102: {  	v20 =	vld.idx.msk [tilespmem:v13+s14+$0x0], $0xffff;
	[tilespmem:s1+$0xFFFFFC60] =	vst v15  }
0x103: {  	[tilespmem:s1+$0x0] =	vst v21;
	v15 =	vld.idx.msk [tilespmem:v8+s14+$0x0], $0xffff  }
0x104: {  	[tilespmem:s1+$0x10] =	vst v16;
	v16 =	vld.idx.msk [tilespmem:v5+s14+$0x0], $0xffff  }
0x105: {  	[tilespmem:s1+$0x20] =	vst v17;
	v17 =	vld.idx.msk [tilespmem:v9+s14+$0x0], $0xffff  }
0x106: {  	[tilespmem:s1+$0x30] =	vst v18;
	v18 =	vld.idx.msk [tilespmem:v6+s14+$0x0], $0xffff  }
0x107: {  	[tilespmem:s1+$0x40] =	vst v19;
	v19 =	vld.idx.msk [tilespmem:v3+s14+$0x0], $0xffff  }
0x108: {  	[tilespmem:s1+$0x50] =	vst v20;
	v20 =	vld.idx.msk [tilespmem:v2+s14+$0x0], $0xffff  }
0x109: {  	[tilespmem:s1+$0x60] =	vst v15;
	v15 =	vld.idx.msk [tilespmem:v0+s14+$0x0], $0xffff  }
0x10a: {  	[tilespmem:s1+$0x70] =	vst v16;
	v16 =	vld.idx.msk [tilespmem:v1+s14+$0x0], $0xffff  }
0x10b: {  	[tilespmem:s1+$0x400] =	vst v17;
	v17 =	vld.idx.msk [tilespmem:v4+s14+$0x0], $0xffff  }
0x10c: {  	v21 =	vld.idx.msk [tilespmem:v14+s15+$0x0], $0xffff;
	[tilespmem:s1+$0x410] =	vst v18  }
0x10d: {  	v18 =	vld.idx.msk [tilespmem:v7+s15+$0x0], $0xffff;
	[tilespmem:s1+$0x420] =	vst v19  }
0x10e: {  	v19 =	vld.idx.msk [tilespmem:v10+s15+$0x0], $0xffff;
	[tilespmem:s1+$0x430] =	vst v20  }
0x10f: {  	v20 =	vld.idx.msk [tilespmem:v11+s15+$0x0], $0xffff;
	[tilespmem:s1+$0x440] =	vst v15  }
0x110: {  	v15 =	vld.idx.msk [tilespmem:v12+s15+$0x0], $0xffff;
	[tilespmem:s1+$0x450] =	vst v16  }
0x111: {  	v16 =	vld.idx.msk [tilespmem:v13+s15+$0x0], $0xffff;
	[tilespmem:s1+$0x460] =	vst v17  }
0x112: {  	[tilespmem:s1+$0x800] =	vst v21;
	v17 =	vld.idx.msk [tilespmem:v8+s15+$0x0], $0xffff  }
0x113: {  	[tilespmem:s1+$0x810] =	vst v18;
	v18 =	vld.idx.msk [tilespmem:v5+s15+$0x0], $0xffff  }
0x114: {  	[tilespmem:s1+$0x820] =	vst v19;
	v19 =	vld.idx.msk [tilespmem:v9+s15+$0x0], $0xffff  }
0x115: {  	[tilespmem:s1+$0x830] =	vst v20;
	v20 =	vld.idx.msk [tilespmem:v6+s15+$0x0], $0xffff  }
0x116: {  	[tilespmem:s1+$0x840] =	vst v15;
	v15 =	vld.idx.msk [tilespmem:v3+s15+$0x0], $0xffff  }
0x117: {  	[tilespmem:s1+$0x850] =	vst v16;
	v16 =	vld.idx.msk [tilespmem:v2+s15+$0x0], $0xffff  }
0x118: {  	[tilespmem:s1+$0x860] =	vst v17;
	v17 =	vld.idx.msk [tilespmem:v0+s15+$0x0], $0xffff  }
0x119: {  	[tilespmem:s1+$0x870] =	vst v18;
	v18 =	vld.idx.msk [tilespmem:v1+s15+$0x0], $0xffff  }
0x11a: {  	[tilespmem:s1+$0xC00] =	vst v19;
	v19 =	vld.idx.msk [tilespmem:v4+s15+$0x0], $0xffff  }
0x11b: {  	v21 =	vld.idx.msk [tilespmem:v14+s16+$0x0], $0xffff;
	[tilespmem:s1+$0xC10] =	vst v20  }
0x11c: {  	v20 =	vld.idx.msk [tilespmem:v7+s16+$0x0], $0xffff;
	[tilespmem:s1+$0xC20] =	vst v15  }
0x11d: {  	v15 =	vld.idx.msk [tilespmem:v10+s16+$0x0], $0xffff;
	[tilespmem:s1+$0xC30] =	vst v16  }
0x11e: {  	v16 =	vld.idx.msk [tilespmem:v11+s16+$0x0], $0xffff;
	[tilespmem:s1+$0xC40] =	vst v17  }
0x11f: {  	v17 =	vld.idx.msk [tilespmem:v12+s16+$0x0], $0xffff;
	[tilespmem:s1+$0xC50] =	vst v18  }
0x120: {  	v18 =	vld.idx.msk [tilespmem:v13+s16+$0x0], $0xffff;
	[tilespmem:s1+$0xC60] =	vst v19  }
0x121: {  	[tilespmem:s1+$0x1000] =	vst v21;
	v19 =	vld.idx.msk [tilespmem:v8+s16+$0x0], $0xffff  }
0x122: {  	[tilespmem:s1+$0x1010] =	vst v20;
	v20 =	vld.idx.msk [tilespmem:v5+s16+$0x0], $0xffff  }
0x123: {  	[tilespmem:s1+$0x1020] =	vst v15;
	v15 =	vld.idx.msk [tilespmem:v9+s16+$0x0], $0xffff  }
0x124: {  	[tilespmem:s1+$0x1030] =	vst v16;
	v16 =	vld.idx.msk [tilespmem:v6+s16+$0x0], $0xffff  }
0x125: {  	[tilespmem:s1+$0x1040] =	vst v17;
	v17 =	vld.idx.msk [tilespmem:v3+s16+$0x0], $0xffff  }
0x126: {  	[tilespmem:s1+$0x1050] =	vst v18;
	v18 =	vld.idx.msk [tilespmem:v2+s16+$0x0], $0xffff  }
0x127: {  	[tilespmem:s1+$0x1060] =	vst v19;
	v19 =	vld.idx.msk [tilespmem:v0+s16+$0x0], $0xffff  }
0x128: {  	[tilespmem:s1+$0x1070] =	vst v20;
	v20 =	vld.idx.msk [tilespmem:v1+s16+$0x0], $0xffff  }
0x129: {  	[tilespmem:s1+$0x1400] =	vst v15;
	v15 =	vld.idx.msk [tilespmem:v4+s16+$0x0], $0xffff  }
0x12a: {  	v14 =	vld.idx.msk [tilespmem:v14+s17+$0x0], $0xffff;
	[tilespmem:s1+$0x1410] =	vst v16  }
0x12b: {  	v7 =	vld.idx.msk [tilespmem:v7+s17+$0x0], $0xffff;
	[tilespmem:s1+$0x1420] =	vst v17  }
0x12c: {  	v10 =	vld.idx.msk [tilespmem:v10+s17+$0x0], $0xffff;
	[tilespmem:s1+$0x1430] =	vst v18  }
0x12d: {  	v11 =	vld.idx.msk [tilespmem:v11+s17+$0x0], $0xffff;
	[tilespmem:s1+$0x1440] =	vst v19  }
0x12e: {  	v12 =	vld.idx.msk [tilespmem:v12+s17+$0x0], $0xffff;
	[tilespmem:s1+$0x1450] =	vst v20  }
0x12f: {  	v13 =	vld.idx.msk [tilespmem:v13+s17+$0x0], $0xffff;
	[tilespmem:s1+$0x1460] =	vst v15  }
0x130: {  	[tilespmem:s1+$0x1800] =	vst v14;
	v8 =	vld.idx.msk [tilespmem:v8+s17+$0x0], $0xffff  }
0x131: {  	[tilespmem:s1+$0x1810] =	vst v7;
	v7 =	vld.idx.msk [tilespmem:v5+s17+$0x0], $0xffff  }
0x132: {  	[tilespmem:s1+$0x1820] =	vst v10;
	v9 =	vld.idx.msk [tilespmem:v9+s17+$0x0], $0xffff  }
0x133: {  	[tilespmem:s1+$0x1830] =	vst v11;
	v5 =	vld.idx.msk [tilespmem:v6+s17+$0x0], $0xffff  }
.Ltmp0:
0x134: {  	[tilespmem:s1+$0x1840] =	vst v12;
	v6 =	vld.idx.msk [tilespmem:v3+s17+$0x0], $0xffff;
	(pc) =	sbr.rel @p0 .LBB2_2-.Ltmp0, $4  }
0x135: {  	[tilespmem:s1+$0x1850] =	vst v13;
	v2 =	vld.idx.msk [tilespmem:v2+s17+$0x0], $0xffff  }
0x136: {  	[tilespmem:s1+$0x1860] =	vst v8;
	v3 =	vld.idx.msk [tilespmem:v0+s17+$0x0], $0xffff  }
0x137: {  	[tilespmem:s1+$0x1870] =	vst v7;
	v0 =	vld.idx.msk [tilespmem:v1+s17+$0x0], $0xffff  }
0x138: {  	s19 =	sadd.s32 $0x80, s19;
	[tilespmem:s1+$0x1C00] =	vst v9;
	v1 =	vld.idx.msk [tilespmem:v4+s17+$0x0], $0xffff  }
0x139: {  	[tilespmem:s1+$0x1C10] =	vst v5  }
0x13a: {  	[tilespmem:s1+$0x1C20] =	vst v6  }
0x13b: {  	[tilespmem:s1+$0x1C30] =	vst v2  }
0x13c: {  	[tilespmem:s1+$0x1C40] =	vst v3  }
0x13d: {  	[tilespmem:s1+$0x1C50] =	vst v0  }
0x13e: {  	s30 =	simm.s32 $0x4800;
	[tilespmem:s1+$0x1C60] =	vst v1;
	s1 =	simm.s32 $0x0  }
0x13f: {  	[hbm4b:s4+s12] =	stream.strided.scatter [tilespmem:s30], [sflag:$0x3], $0x4000, s18, s12, $0x38;
	[tilespmem:$0xC800] =	vst v63  }
0x140: {  	v15 =	vld [tilespmem:s1+$0x4470]  }
0x141: {  	v14 =	vld [tilespmem:s1+$0x4000]  }
0x142: {  	v13 =	vld [tilespmem:s1+$0x4010]  }
0x143: {  	v12 =	vld [tilespmem:s1+$0x4020]  }
0x144: {  	v11 =	vld [tilespmem:s1+$0x4030]  }
0x145: {  	v10 =	vld [tilespmem:s1+$0x4040]  }
0x146: {  	v9 =	vld [tilespmem:s1+$0x4050]  }
0x147: {  	v7 =	vld [tilespmem:s1+$0x4060]  }
0x148: {  	v8 =	vld [tilespmem:s1+$0x4070]  }
0x149: {  	v6 =	vld [tilespmem:s1+$0x4400]  }
0x14a: {  	v5 =	vld [tilespmem:s1+$0x4410]  }
0x14b: {  	v4 =	vld [tilespmem:s1+$0x4420]  }
0x14c: {  	v3 =	vld [tilespmem:s1+$0x4430]  }
0x14d: {  	v1 =	vld [tilespmem:s1+$0x4440]  }
0x14e: {  	v2 =	vld [tilespmem:s1+$0x4450]  }
0x14f: {  	v0 =	vld.idx.msk [tilespmem:v15+s20+$0x0], $0xffff  }
0x150: {  	v17 =	vld.idx.msk [tilespmem:v14+s20+$0x0], $0xffff  }
0x151: {  	v18 =	vld.idx.msk [tilespmem:v13+s20+$0x0], $0xffff  }
0x152: {  	v19 =	vld.idx.msk [tilespmem:v12+s20+$0x0], $0xffff  }
0x153: {  	v20 =	vld.idx.msk [tilespmem:v11+s20+$0x0], $0xffff  }
0x154: {  	v21 =	vld.idx.msk [tilespmem:v10+s20+$0x0], $0xffff  }
0x155: {  	v46 =	vld.idx.msk [tilespmem:v9+s20+$0x0], $0xffff  }
0x156: {  	v47 =	vld.idx.msk [tilespmem:v7+s20+$0x0], $0xffff;
	[tilespmem:s1+$0x8C70] =	vst v0  }
0x157: {  	v48 =	vld.idx.msk [tilespmem:v8+s20+$0x0], $0xffff;
	[tilespmem:s1+$0x8800] =	vst v17  }
0x158: {  	v49 =	vld.idx.msk [tilespmem:v6+s20+$0x0], $0xffff;
	[tilespmem:s1+$0x8810] =	vst v18  }
0x159: {  	v22 =	vld.idx.msk [tilespmem:v5+s20+$0x0], $0xffff;
	[tilespmem:s1+$0x8820] =	vst v19  }
0x15a: {  	v50 =	vld.idx.msk [tilespmem:v4+s20+$0x0], $0xffff;
	[tilespmem:s1+$0x8830] =	vst v20  }
0x15b: {  	v51 =	vld.idx.msk [tilespmem:v3+s20+$0x0], $0xffff;
	[tilespmem:s1+$0x8840] =	vst v21  }
0x15c: {  	v52 =	vld.idx.msk [tilespmem:v1+s20+$0x0], $0xffff;
	[tilespmem:s1+$0x8850] =	vst v46  }
0x15d: {  	v53 =	vld.idx.msk [tilespmem:v2+s20+$0x0], $0xffff;
	[tilespmem:s1+$0x8860] =	vst v47  }
0x15e: {  	v0 =	vld [tilespmem:s1+$0x4460];
	[tilespmem:s1+$0x8870] =	vst v48  }
0x15f: {  	[tilespmem:s1+$0x8C00] =	vst v49;
	v16 =	vld.idx.msk [tilespmem:v15+s21+$0x0], $0xffff  }
0x160: {  	[tilespmem:s1+$0x8C10] =	vst v22;
	v55 =	vld.idx.msk [tilespmem:v14+s21+$0x0], $0xffff  }
0x161: {  	[tilespmem:s1+$0x8C20] =	vst v50;
	v56 =	vld.idx.msk [tilespmem:v13+s21+$0x0], $0xffff  }
0x162: {  	[tilespmem:s1+$0x8C30] =	vst v51;
	v57 =	vld.idx.msk [tilespmem:v12+s21+$0x0], $0xffff  }
0x163: {  	[tilespmem:s1+$0x8C40] =	vst v52;
	v58 =	vld.idx.msk [tilespmem:v11+s21+$0x0], $0xffff  }
0x164: {  	[tilespmem:s1+$0x8C50] =	vst v53;
	v59 =	vld.idx.msk [tilespmem:v10+s21+$0x0], $0xffff  }
0x165: {  	v60 =	vld.idx.msk [tilespmem:v9+s21+$0x0], $0xffff;
	[tilespmem:s1+$0x9470] =	vst v16  }
0x166: {  	v61 =	vld.idx.msk [tilespmem:v7+s21+$0x0], $0xffff;
	[tilespmem:s1+$0x9000] =	vst v55  }
0x167: {  	v62 =	vld.idx.msk [tilespmem:v8+s21+$0x0], $0xffff;
	[tilespmem:s1+$0x9010] =	vst v56  }
0x168: {  	v63 =	vld.idx.msk [tilespmem:v6+s21+$0x0], $0xffff;
	[tilespmem:s1+$0x9020] =	vst v57  }
0x169: {  	v24 =	vld.idx.msk [tilespmem:v5+s21+$0x0], $0xffff;
	[tilespmem:s1+$0x9030] =	vst v58  }
0x16a: {  	v25 =	vld.idx.msk [tilespmem:v4+s21+$0x0], $0xffff;
	[tilespmem:s1+$0x9040] =	vst v59  }
0x16b: {  	v26 =	vld.idx.msk [tilespmem:v3+s21+$0x0], $0xffff;
	[tilespmem:s1+$0x9050] =	vst v60  }
0x16c: {  	v27 =	vld.idx.msk [tilespmem:v1+s21+$0x0], $0xffff;
	[tilespmem:s1+$0x9060] =	vst v61  }
0x16d: {  	v28 =	vld.idx.msk [tilespmem:v2+s21+$0x0], $0xffff;
	[tilespmem:s1+$0x9070] =	vst v62  }
0x16e: {  	[tilespmem:s1+$0x9400] =	vst v63;
	v16 =	vld.idx.msk [tilespmem:v15+s22+$0x0], $0xffff  }
0x16f: {  	[tilespmem:s1+$0x9410] =	vst v24;
	v30 =	vld.idx.msk [tilespmem:v14+s22+$0x0], $0xffff  }
0x170: {  	[tilespmem:s1+$0x9420] =	vst v25;
	v31 =	vld.idx.msk [tilespmem:v13+s22+$0x0], $0xffff  }
0x171: {  	[tilespmem:s1+$0x9430] =	vst v26;
	v32 =	vld.idx.msk [tilespmem:v12+s22+$0x0], $0xffff  }
0x172: {  	[tilespmem:s1+$0x9440] =	vst v27;
	v33 =	vld.idx.msk [tilespmem:v11+s22+$0x0], $0xffff  }
0x173: {  	[tilespmem:s1+$0x9450] =	vst v28;
	v34 =	vld.idx.msk [tilespmem:v10+s22+$0x0], $0xffff  }
0x174: {  	v35 =	vld.idx.msk [tilespmem:v9+s22+$0x0], $0xffff;
	[tilespmem:s1+$0x9C70] =	vst v16  }
0x175: {  	v36 =	vld.idx.msk [tilespmem:v7+s22+$0x0], $0xffff;
	[tilespmem:s1+$0x9800] =	vst v30  }
0x176: {  	v37 =	vld.idx.msk [tilespmem:v8+s22+$0x0], $0xffff;
	[tilespmem:s1+$0x9810] =	vst v31  }
0x177: {  	v38 =	vld.idx.msk [tilespmem:v6+s22+$0x0], $0xffff;
	[tilespmem:s1+$0x9820] =	vst v32  }
0x178: {  	v39 =	vld.idx.msk [tilespmem:v5+s22+$0x0], $0xffff;
	[tilespmem:s1+$0x9830] =	vst v33  }
0x179: {  	v40 =	vld.idx.msk [tilespmem:v4+s22+$0x0], $0xffff;
	[tilespmem:s1+$0x9840] =	vst v34  }
0x17a: {  	v41 =	vld.idx.msk [tilespmem:v3+s22+$0x0], $0xffff;
	[tilespmem:s1+$0x9850] =	vst v35  }
0x17b: {  	v42 =	vld.idx.msk [tilespmem:v1+s22+$0x0], $0xffff;
	[tilespmem:s1+$0x9860] =	vst v36  }
0x17c: {  	v43 =	vld.idx.msk [tilespmem:v2+s22+$0x0], $0xffff;
	[tilespmem:s1+$0x9870] =	vst v37  }
0x17d: {  	v54 =	vld.idx.msk [tilespmem:v0+s20+$0x0], $0xffff;
	[tilespmem:s1+$0x9C00] =	vst v38  }
0x17e: {  	[tilespmem:s1+$0x9C10] =	vst v39;
	v16 =	vld.idx.msk [tilespmem:v15+s23+$0x0], $0xffff  }
0x17f: {  	[tilespmem:s1+$0x9C20] =	vst v40;
	v45 =	vld.idx.msk [tilespmem:v14+s23+$0x0], $0xffff  }
0x180: {  	[tilespmem:s1+$0x9C30] =	vst v41;
	v46 =	vld.idx.msk [tilespmem:v13+s23+$0x0], $0xffff  }
0x181: {  	[tilespmem:s1+$0x9C40] =	vst v42;
	v47 =	vld.idx.msk [tilespmem:v12+s23+$0x0], $0xffff  }
0x182: {  	[tilespmem:s1+$0x9C50] =	vst v43;
	v48 =	vld.idx.msk [tilespmem:v11+s23+$0x0], $0xffff  }
0x183: {  	[tilespmem:s1+$0x8C60] =	vst v54;
	v49 =	vld.idx.msk [tilespmem:v10+s23+$0x0], $0xffff  }
0x184: {  	v50 =	vld.idx.msk [tilespmem:v9+s23+$0x0], $0xffff;
	[tilespmem:s1+$0xA470] =	vst v16  }
0x185: {  	v51 =	vld.idx.msk [tilespmem:v7+s23+$0x0], $0xffff;
	[tilespmem:s1+$0xA000] =	vst v45  }
0x186: {  	v52 =	vld.idx.msk [tilespmem:v8+s23+$0x0], $0xffff;
	[tilespmem:s1+$0xA010] =	vst v46  }
0x187: {  	v53 =	vld.idx.msk [tilespmem:v6+s23+$0x0], $0xffff;
	[tilespmem:s1+$0xA020] =	vst v47  }
0x188: {  	v54 =	vld.idx.msk [tilespmem:v5+s23+$0x0], $0xffff;
	[tilespmem:s1+$0xA030] =	vst v48  }
0x189: {  	v55 =	vld.idx.msk [tilespmem:v4+s23+$0x0], $0xffff;
	[tilespmem:s1+$0xA040] =	vst v49  }
0x18a: {  	v56 =	vld.idx.msk [tilespmem:v3+s23+$0x0], $0xffff;
	[tilespmem:s1+$0xA050] =	vst v50  }
0x18b: {  	v57 =	vld.idx.msk [tilespmem:v1+s23+$0x0], $0xffff;
	[tilespmem:s1+$0xA060] =	vst v51  }
0x18c: {  	v58 =	vld.idx.msk [tilespmem:v2+s23+$0x0], $0xffff;
	[tilespmem:s1+$0xA070] =	vst v52  }
0x18d: {  	v29 =	vld.idx.msk [tilespmem:v0+s21+$0x0], $0xffff;
	[tilespmem:s1+$0xA400] =	vst v53  }
0x18e: {  	[tilespmem:s1+$0xA410] =	vst v54;
	v16 =	vld.idx.msk [tilespmem:v15+s24+$0x0], $0xffff  }
0x18f: {  	[tilespmem:s1+$0xA420] =	vst v55;
	v60 =	vld.idx.msk [tilespmem:v14+s24+$0x0], $0xffff  }
0x190: {  	[tilespmem:s1+$0xA430] =	vst v56;
	v61 =	vld.idx.msk [tilespmem:v13+s24+$0x0], $0xffff  }
0x191: {  	[tilespmem:s1+$0xA440] =	vst v57;
	v62 =	vld.idx.msk [tilespmem:v12+s24+$0x0], $0xffff  }
0x192: {  	[tilespmem:s1+$0xA450] =	vst v58;
	v63 =	vld.idx.msk [tilespmem:v11+s24+$0x0], $0xffff  }
0x193: {  	[tilespmem:s1+$0x9460] =	vst v29;
	v24 =	vld.idx.msk [tilespmem:v10+s24+$0x0], $0xffff  }
0x194: {  	v25 =	vld.idx.msk [tilespmem:v9+s24+$0x0], $0xffff;
	[tilespmem:s1+$0xAC70] =	vst v16  }
0x195: {  	v26 =	vld.idx.msk [tilespmem:v7+s24+$0x0], $0xffff;
	[tilespmem:s1+$0xA800] =	vst v60  }
0x196: {  	v27 =	vld.idx.msk [tilespmem:v8+s24+$0x0], $0xffff;
	[tilespmem:s1+$0xA810] =	vst v61  }
0x197: {  	v28 =	vld.idx.msk [tilespmem:v6+s24+$0x0], $0xffff;
	[tilespmem:s1+$0xA820] =	vst v62  }
0x198: {  	v29 =	vld.idx.msk [tilespmem:v5+s24+$0x0], $0xffff;
	[tilespmem:s1+$0xA830] =	vst v63  }
0x199: {  	v30 =	vld.idx.msk [tilespmem:v4+s24+$0x0], $0xffff;
	[tilespmem:s1+$0xA840] =	vst v24  }
0x19a: {  	v31 =	vld.idx.msk [tilespmem:v3+s24+$0x0], $0xffff;
	[tilespmem:s1+$0xA850] =	vst v25  }
0x19b: {  	v32 =	vld.idx.msk [tilespmem:v1+s24+$0x0], $0xffff;
	[tilespmem:s1+$0xA860] =	vst v26  }
0x19c: {  	v33 =	vld.idx.msk [tilespmem:v2+s24+$0x0], $0xffff;
	[tilespmem:s1+$0xA870] =	vst v27  }
0x19d: {  	v44 =	vld.idx.msk [tilespmem:v0+s22+$0x0], $0xffff;
	[tilespmem:s1+$0xAC00] =	vst v28  }
0x19e: {  	[tilespmem:s1+$0xAC10] =	vst v29;
	v16 =	vld.idx.msk [tilespmem:v15+s25+$0x0], $0xffff  }
0x19f: {  	[tilespmem:s1+$0xAC20] =	vst v30;
	v21 =	vld.idx.msk [tilespmem:v14+s25+$0x0], $0xffff  }
0x1a0: {  	[tilespmem:s1+$0xAC30] =	vst v31;
	v35 =	vld.idx.msk [tilespmem:v13+s25+$0x0], $0xffff  }
0x1a1: {  	[tilespmem:s1+$0xAC40] =	vst v32;
	v36 =	vld.idx.msk [tilespmem:v12+s25+$0x0], $0xffff  }
0x1a2: {  	[tilespmem:s1+$0xAC50] =	vst v33;
	v37 =	vld.idx.msk [tilespmem:v11+s25+$0x0], $0xffff  }
0x1a3: {  	[tilespmem:s1+$0x9C60] =	vst v44;
	v38 =	vld.idx.msk [tilespmem:v10+s25+$0x0], $0xffff  }
0x1a4: {  	v39 =	vld.idx.msk [tilespmem:v9+s25+$0x0], $0xffff;
	[tilespmem:s1+$0xB470] =	vst v16  }
0x1a5: {  	v40 =	vld.idx.msk [tilespmem:v7+s25+$0x0], $0xffff;
	[tilespmem:s1+$0xB000] =	vst v21  }
0x1a6: {  	v41 =	vld.idx.msk [tilespmem:v8+s25+$0x0], $0xffff;
	[tilespmem:s1+$0xB010] =	vst v35  }
0x1a7: {  	v42 =	vld.idx.msk [tilespmem:v6+s25+$0x0], $0xffff;
	[tilespmem:s1+$0xB020] =	vst v36  }
0x1a8: {  	v43 =	vld.idx.msk [tilespmem:v5+s25+$0x0], $0xffff;
	[tilespmem:s1+$0xB030] =	vst v37  }
0x1a9: {  	v44 =	vld.idx.msk [tilespmem:v4+s25+$0x0], $0xffff;
	[tilespmem:s1+$0xB040] =	vst v38  }
0x1aa: {  	v45 =	vld.idx.msk [tilespmem:v3+s25+$0x0], $0xffff;
	[tilespmem:s1+$0xB050] =	vst v39  }
0x1ab: {  	v46 =	vld.idx.msk [tilespmem:v1+s25+$0x0], $0xffff;
	[tilespmem:s1+$0xB060] =	vst v40  }
0x1ac: {  	v47 =	vld.idx.msk [tilespmem:v2+s25+$0x0], $0xffff;
	[tilespmem:s1+$0xB070] =	vst v41  }
0x1ad: {  	v59 =	vld.idx.msk [tilespmem:v0+s23+$0x0], $0xffff;
	[tilespmem:s1+$0xB400] =	vst v42  }
0x1ae: {  	[tilespmem:s1+$0xB410] =	vst v43;
	v16 =	vld.idx.msk [tilespmem:v15+s26+$0x0], $0xffff  }
0x1af: {  	[tilespmem:s1+$0xB420] =	vst v44;
	v21 =	vld.idx.msk [tilespmem:v14+s26+$0x0], $0xffff  }
0x1b0: {  	[tilespmem:s1+$0xB430] =	vst v45;
	v49 =	vld.idx.msk [tilespmem:v13+s26+$0x0], $0xffff  }
0x1b1: {  	[tilespmem:s1+$0xB440] =	vst v46;
	v50 =	vld.idx.msk [tilespmem:v12+s26+$0x0], $0xffff  }
0x1b2: {  	[tilespmem:s1+$0xB450] =	vst v47;
	v51 =	vld.idx.msk [tilespmem:v11+s26+$0x0], $0xffff  }
0x1b3: {  	[tilespmem:s1+$0xA460] =	vst v59;
	v52 =	vld.idx.msk [tilespmem:v10+s26+$0x0], $0xffff  }
0x1b4: {  	v53 =	vld.idx.msk [tilespmem:v9+s26+$0x0], $0xffff;
	[tilespmem:s1+$0xBC70] =	vst v16  }
0x1b5: {  	v54 =	vld.idx.msk [tilespmem:v7+s26+$0x0], $0xffff;
	[tilespmem:s1+$0xB800] =	vst v21  }
0x1b6: {  	v55 =	vld.idx.msk [tilespmem:v8+s26+$0x0], $0xffff;
	[tilespmem:s1+$0xB810] =	vst v49  }
0x1b7: {  	v56 =	vld.idx.msk [tilespmem:v6+s26+$0x0], $0xffff;
	[tilespmem:s1+$0xB820] =	vst v50  }
0x1b8: {  	v57 =	vld.idx.msk [tilespmem:v5+s26+$0x0], $0xffff;
	[tilespmem:s1+$0xB830] =	vst v51  }
0x1b9: {  	v58 =	vld.idx.msk [tilespmem:v4+s26+$0x0], $0xffff;
	[tilespmem:s1+$0xB840] =	vst v52  }
0x1ba: {  	v59 =	vld.idx.msk [tilespmem:v3+s26+$0x0], $0xffff;
	[tilespmem:s1+$0xB850] =	vst v53  }
0x1bb: {  	v60 =	vld.idx.msk [tilespmem:v1+s26+$0x0], $0xffff;
	[tilespmem:s1+$0xB860] =	vst v54  }
0x1bc: {  	v61 =	vld.idx.msk [tilespmem:v2+s26+$0x0], $0xffff;
	[tilespmem:s1+$0xB870] =	vst v55  }
0x1bd: {  	v34 =	vld.idx.msk [tilespmem:v0+s24+$0x0], $0xffff;
	[tilespmem:s1+$0xBC00] =	vst v56  }
0x1be: {  	[tilespmem:s1+$0xBC10] =	vst v57;
	v15 =	vld.idx.msk [tilespmem:v15+s28+$0x0], $0xffff  }
0x1bf: {  	[tilespmem:s1+$0xBC20] =	vst v58;
	v14 =	vld.idx.msk [tilespmem:v14+s28+$0x0], $0xffff  }
0x1c0: {  	[tilespmem:s1+$0xBC30] =	vst v59;
	v13 =	vld.idx.msk [tilespmem:v13+s28+$0x0], $0xffff  }
0x1c1: {  	[tilespmem:s1+$0xBC40] =	vst v60;
	v12 =	vld.idx.msk [tilespmem:v12+s28+$0x0], $0xffff  }
0x1c2: {  	[tilespmem:s1+$0xAC60] =	vst v34;
	v11 =	vld.idx.msk [tilespmem:v11+s28+$0x0], $0xffff  }
0x1c3: {  	[tilespmem:s1+$0xBC50] =	vst v61;
	v48 =	vld.idx.msk [tilespmem:v0+s25+$0x0], $0xffff  }
0x1c4: {  	v10 =	vld.idx.msk [tilespmem:v10+s28+$0x0], $0xffff;
	[tilespmem:s1+$0xC470] =	vst v15  }
0x1c5: {  	v9 =	vld.idx.msk [tilespmem:v9+s28+$0x0], $0xffff;
	[tilespmem:s1+$0xC000] =	vst v14  }
0x1c6: {  	v63 =	vld.idx.msk [tilespmem:v7+s28+$0x0], $0xffff;
	[tilespmem:s1+$0xC010] =	vst v13  }
0x1c7: {  	v8 =	vld.idx.msk [tilespmem:v8+s28+$0x0], $0xffff;
	[tilespmem:s1+$0xC020] =	vst v12  }
0x1c8: {  	v7 =	vld.idx.msk [tilespmem:v6+s28+$0x0], $0xffff;
	[tilespmem:s1+$0xB460] =	vst v48  }
0x1c9: {  	[tilespmem:s1+$0xC030] =	vst v11;
	v62 =	vld.idx.msk [tilespmem:v0+s26+$0x0], $0xffff  }
0x1ca: {  	v5 =	vld.idx.msk [tilespmem:v5+s28+$0x0], $0xffff;
	[tilespmem:s1+$0xC040] =	vst v10  }
0x1cb: {  	v6 =	vld.idx.msk [tilespmem:v4+s28+$0x0], $0xffff;
	[tilespmem:s1+$0xC050] =	vst v9  }
0x1cc: {  	v3 =	vld.idx.msk [tilespmem:v3+s28+$0x0], $0xffff;
	[tilespmem:s1+$0xC060] =	vst v63  }
0x1cd: {  	v1 =	vld.idx.msk [tilespmem:v1+s28+$0x0], $0xffff;
	[tilespmem:s1+$0xC070] =	vst v8  }
0x1ce: {  	s8 =	simm.s32 $0x0;
	s19 =	simm.s32 $0x200;
	v2 =	vld.idx.msk [tilespmem:v2+s28+$0x0], $0xffff;
	[tilespmem:s1+$0xBC60] =	vst v62  }
.LBB2_4:
0x1cf: {  	s30 =	sshra.s32 s19, $0x2;
	s8 =	sadd.s32 $0x10, s8;
	[tilespmem:s1+$0xC400] =	vst v7;
	v0 =	vld.idx.msk [tilespmem:v0+s28+$0x0], $0xffff  }
0x1d0: {  	v15 =	vld [tilespmem:s30+$0x4470];
	p0 =	slt.u32 s8, $0x70;
	[tilespmem:s1+$0xC410] =	vst v5  }
0x1d1: {  	v8 =	vld [tilespmem:s30+$0x4000];
	[tilespmem:s1+$0xC420] =	vst v6  }
0x1d2: {  	v9 =	vld [tilespmem:s30+$0x4010];
	[tilespmem:s1+$0xC430] =	vst v3  }
0x1d3: {  	v10 =	vld [tilespmem:s30+$0x4020];
	[tilespmem:s1+$0xC440] =	vst v1  }
0x1d4: {  	v11 =	vld [tilespmem:s30+$0x4030];
	[tilespmem:s1+$0xC450] =	vst v2  }
0x1d5: {  	v12 =	vld [tilespmem:s30+$0x4040];
	[tilespmem:s1+$0xC460] =	vst v0;
	s1 =	smov.u32 s30  }
0x1d6: {  	v14 =	vld [tilespmem:s1+$0x4050]  }
0x1d7: {  	v6 =	vld [tilespmem:s1+$0x4060]  }
0x1d8: {  	v0 =	vld.idx.msk [tilespmem:v15+s20+$0x0], $0xffff  }
0x1d9: {  	v13 =	vld [tilespmem:s1+$0x4070]  }
0x1da: {  	v7 =	vld [tilespmem:s1+$0x4400]  }
0x1db: {  	v5 =	vld [tilespmem:s1+$0x4410]  }
0x1dc: {  	v3 =	vld [tilespmem:s1+$0x4420]  }
0x1dd: {  	v2 =	vld [tilespmem:s1+$0x4430]  }
0x1de: {  	v1 =	vld [tilespmem:s1+$0x4440];
	[tilespmem:s1+$0x8C70] =	vst v0  }
0x1df: {  	v16 =	vld.idx.msk [tilespmem:v15+s21+$0x0], $0xffff  }
0x1e0: {  	v4 =	vld [tilespmem:s1+$0x4450]  }
0x1e1: {  	v0 =	vld [tilespmem:s1+$0x4460]  }
0x1e2: {  	v17 =	vld.idx.msk [tilespmem:v8+s20+$0x0], $0xffff  }
0x1e3: {  	v18 =	vld.idx.msk [tilespmem:v9+s20+$0x0], $0xffff  }
0x1e4: {  	v19 =	vld.idx.msk [tilespmem:v10+s20+$0x0], $0xffff  }
0x1e5: {  	v20 =	vld.idx.msk [tilespmem:v11+s20+$0x0], $0xffff;
	[tilespmem:s1+$0x9470] =	vst v16  }
0x1e6: {  	v16 =	vld.idx.msk [tilespmem:v15+s22+$0x0], $0xffff  }
0x1e7: {  	v21 =	vld.idx.msk [tilespmem:v12+s20+$0x0], $0xffff  }
0x1e8: {  	[tilespmem:s1+$0x8800] =	vst v17;
	v17 =	vld.idx.msk [tilespmem:v14+s20+$0x0], $0xffff  }
0x1e9: {  	[tilespmem:s1+$0x8810] =	vst v18;
	v18 =	vld.idx.msk [tilespmem:v6+s20+$0x0], $0xffff  }
0x1ea: {  	[tilespmem:s1+$0x8820] =	vst v19;
	v19 =	vld.idx.msk [tilespmem:v13+s20+$0x0], $0xffff  }
0x1eb: {  	[tilespmem:s1+$0x8830] =	vst v20;
	v20 =	vld.idx.msk [tilespmem:v7+s20+$0x0], $0xffff  }
0x1ec: {  	v22 =	vld.idx.msk [tilespmem:v5+s20+$0x0], $0xffff;
	[tilespmem:s1+$0x9C70] =	vst v16  }
0x1ed: {  	[tilespmem:s1+$0x8840] =	vst v21;
	v16 =	vld.idx.msk [tilespmem:v15+s23+$0x0], $0xffff  }
0x1ee: {  	[tilespmem:s1+$0x8850] =	vst v17;
	v17 =	vld.idx.msk [tilespmem:v3+s20+$0x0], $0xffff  }
0x1ef: {  	[tilespmem:s1+$0x8860] =	vst v18;
	v18 =	vld.idx.msk [tilespmem:v2+s20+$0x0], $0xffff  }
0x1f0: {  	[tilespmem:s1+$0x8870] =	vst v19;
	v19 =	vld.idx.msk [tilespmem:v1+s20+$0x0], $0xffff  }
0x1f1: {  	[tilespmem:s1+$0x8C00] =	vst v20;
	v20 =	vld.idx.msk [tilespmem:v4+s20+$0x0], $0xffff  }
0x1f2: {  	[tilespmem:s1+$0x8C10] =	vst v22;
	v21 =	vld.idx.msk [tilespmem:v0+s20+$0x0], $0xffff  }
0x1f3: {  	v22 =	vld.idx.msk [tilespmem:v8+s21+$0x0], $0xffff;
	[tilespmem:s1+$0xA470] =	vst v16  }
0x1f4: {  	[tilespmem:s1+$0x8C20] =	vst v17;
	v16 =	vld.idx.msk [tilespmem:v15+s24+$0x0], $0xffff  }
0x1f5: {  	v17 =	vld.idx.msk [tilespmem:v9+s21+$0x0], $0xffff;
	[tilespmem:s1+$0x8C30] =	vst v18  }
0x1f6: {  	v18 =	vld.idx.msk [tilespmem:v10+s21+$0x0], $0xffff;
	[tilespmem:s1+$0x8C40] =	vst v19  }
0x1f7: {  	v19 =	vld.idx.msk [tilespmem:v11+s21+$0x0], $0xffff;
	[tilespmem:s1+$0x8C50] =	vst v20  }
0x1f8: {  	v20 =	vld.idx.msk [tilespmem:v12+s21+$0x0], $0xffff;
	[tilespmem:s1+$0x8C60] =	vst v21  }
0x1f9: {  	[tilespmem:s1+$0x9000] =	vst v22;
	v21 =	vld.idx.msk [tilespmem:v14+s21+$0x0], $0xffff  }
0x1fa: {  	v22 =	vld.idx.msk [tilespmem:v6+s21+$0x0], $0xffff;
	[tilespmem:s1+$0xAC70] =	vst v16  }
0x1fb: {  	[tilespmem:s1+$0x9010] =	vst v17;
	v16 =	vld.idx.msk [tilespmem:v15+s25+$0x0], $0xffff  }
0x1fc: {  	[tilespmem:s1+$0x9020] =	vst v18;
	v17 =	vld.idx.msk [tilespmem:v13+s21+$0x0], $0xffff  }
0x1fd: {  	[tilespmem:s1+$0x9030] =	vst v19;
	v18 =	vld.idx.msk [tilespmem:v7+s21+$0x0], $0xffff  }
0x1fe: {  	[tilespmem:s1+$0x9040] =	vst v20;
	v19 =	vld.idx.msk [tilespmem:v5+s21+$0x0], $0xffff  }
0x1ff: {  	[tilespmem:s1+$0x9050] =	vst v21;
	v20 =	vld.idx.msk [tilespmem:v3+s21+$0x0], $0xffff  }
0x200: {  	[tilespmem:s1+$0x9060] =	vst v22;
	v21 =	vld.idx.msk [tilespmem:v2+s21+$0x0], $0xffff  }
0x201: {  	v22 =	vld.idx.msk [tilespmem:v1+s21+$0x0], $0xffff;
	[tilespmem:s1+$0xB470] =	vst v16  }
0x202: {  	[tilespmem:s1+$0x9070] =	vst v17;
	v16 =	vld.idx.msk [tilespmem:v15+s26+$0x0], $0xffff  }
0x203: {  	[tilespmem:s1+$0x9400] =	vst v18;
	v17 =	vld.idx.msk [tilespmem:v4+s21+$0x0], $0xffff  }
0x204: {  	[tilespmem:s1+$0x9410] =	vst v19;
	v18 =	vld.idx.msk [tilespmem:v0+s21+$0x0], $0xffff  }
0x205: {  	v19 =	vld.idx.msk [tilespmem:v8+s22+$0x0], $0xffff;
	[tilespmem:s1+$0x9420] =	vst v20  }
0x206: {  	v20 =	vld.idx.msk [tilespmem:v9+s22+$0x0], $0xffff;
	[tilespmem:s1+$0x9430] =	vst v21  }
0x207: {  	v21 =	vld.idx.msk [tilespmem:v10+s22+$0x0], $0xffff;
	[tilespmem:s1+$0x9440] =	vst v22  }
0x208: {  	v22 =	vld.idx.msk [tilespmem:v11+s22+$0x0], $0xffff;
	[tilespmem:s1+$0xBC70] =	vst v16  }
0x209: {  	[tilespmem:s1+$0x9450] =	vst v17;
	v15 =	vld.idx.msk [tilespmem:v15+s28+$0x0], $0xffff  }
0x20a: {  	v16 =	vld.idx.msk [tilespmem:v12+s22+$0x0], $0xffff;
	[tilespmem:s1+$0x9460] =	vst v18  }
0x20b: {  	[tilespmem:s1+$0x9800] =	vst v19;
	v17 =	vld.idx.msk [tilespmem:v14+s22+$0x0], $0xffff  }
0x20c: {  	[tilespmem:s1+$0x9810] =	vst v20;
	v18 =	vld.idx.msk [tilespmem:v6+s22+$0x0], $0xffff  }
0x20d: {  	[tilespmem:s1+$0x9820] =	vst v21;
	v19 =	vld.idx.msk [tilespmem:v13+s22+$0x0], $0xffff  }
0x20e: {  	[tilespmem:s1+$0x9830] =	vst v22;
	v20 =	vld.idx.msk [tilespmem:v7+s22+$0x0], $0xffff  }
0x20f: {  	v21 =	vld.idx.msk [tilespmem:v5+s22+$0x0], $0xffff;
	[tilespmem:s1+$0xC470] =	vst v15  }
0x210: {  	[tilespmem:s1+$0x9840] =	vst v16;
	v15 =	vld.idx.msk [tilespmem:v3+s22+$0x0], $0xffff  }
0x211: {  	[tilespmem:s1+$0x9850] =	vst v17;
	v16 =	vld.idx.msk [tilespmem:v2+s22+$0x0], $0xffff  }
0x212: {  	[tilespmem:s1+$0x9860] =	vst v18;
	v17 =	vld.idx.msk [tilespmem:v1+s22+$0x0], $0xffff  }
0x213: {  	[tilespmem:s1+$0x9870] =	vst v19;
	v18 =	vld.idx.msk [tilespmem:v4+s22+$0x0], $0xffff  }
0x214: {  	[tilespmem:s1+$0x9C00] =	vst v20;
	v19 =	vld.idx.msk [tilespmem:v0+s22+$0x0], $0xffff  }
0x215: {  	v20 =	vld.idx.msk [tilespmem:v8+s23+$0x0], $0xffff;
	[tilespmem:s1+$0x9C10] =	vst v21  }
0x216: {  	v21 =	vld.idx.msk [tilespmem:v9+s23+$0x0], $0xffff;
	[tilespmem:s1+$0x9C20] =	vst v15  }
0x217: {  	v15 =	vld.idx.msk [tilespmem:v10+s23+$0x0], $0xffff;
	[tilespmem:s1+$0x9C30] =	vst v16  }
0x218: {  	v16 =	vld.idx.msk [tilespmem:v11+s23+$0x0], $0xffff;
	[tilespmem:s1+$0x9C40] =	vst v17  }
0x219: {  	v17 =	vld.idx.msk [tilespmem:v12+s23+$0x0], $0xffff;
	[tilespmem:s1+$0x9C50] =	vst v18  }
0x21a: {  	v18 =	vld.idx.msk [tilespmem:v14+s23+$0x0], $0xffff;
	[tilespmem:s1+$0x9C60] =	vst v19  }
0x21b: {  	[tilespmem:s1+$0xA000] =	vst v20;
	v19 =	vld.idx.msk [tilespmem:v6+s23+$0x0], $0xffff  }
0x21c: {  	[tilespmem:s1+$0xA010] =	vst v21;
	v20 =	vld.idx.msk [tilespmem:v13+s23+$0x0], $0xffff  }
0x21d: {  	[tilespmem:s1+$0xA020] =	vst v15;
	v15 =	vld.idx.msk [tilespmem:v7+s23+$0x0], $0xffff  }
0x21e: {  	[tilespmem:s1+$0xA030] =	vst v16;
	v16 =	vld.idx.msk [tilespmem:v5+s23+$0x0], $0xffff  }
0x21f: {  	[tilespmem:s1+$0xA040] =	vst v17;
	v17 =	vld.idx.msk [tilespmem:v3+s23+$0x0], $0xffff  }
0x220: {  	[tilespmem:s1+$0xA050] =	vst v18;
	v18 =	vld.idx.msk [tilespmem:v2+s23+$0x0], $0xffff  }
0x221: {  	[tilespmem:s1+$0xA060] =	vst v19;
	v19 =	vld.idx.msk [tilespmem:v1+s23+$0x0], $0xffff  }
0x222: {  	[tilespmem:s1+$0xA070] =	vst v20;
	v20 =	vld.idx.msk [tilespmem:v4+s23+$0x0], $0xffff  }
0x223: {  	[tilespmem:s1+$0xA400] =	vst v15;
	v15 =	vld.idx.msk [tilespmem:v0+s23+$0x0], $0xffff  }
0x224: {  	v21 =	vld.idx.msk [tilespmem:v8+s24+$0x0], $0xffff;
	[tilespmem:s1+$0xA410] =	vst v16  }
0x225: {  	v16 =	vld.idx.msk [tilespmem:v9+s24+$0x0], $0xffff;
	[tilespmem:s1+$0xA420] =	vst v17  }
0x226: {  	v17 =	vld.idx.msk [tilespmem:v10+s24+$0x0], $0xffff;
	[tilespmem:s1+$0xA430] =	vst v18  }
0x227: {  	v18 =	vld.idx.msk [tilespmem:v11+s24+$0x0], $0xffff;
	[tilespmem:s1+$0xA440] =	vst v19  }
0x228: {  	v19 =	vld.idx.msk [tilespmem:v12+s24+$0x0], $0xffff;
	[tilespmem:s1+$0xA450] =	vst v20  }
0x229: {  	v20 =	vld.idx.msk [tilespmem:v14+s24+$0x0], $0xffff;
	[tilespmem:s1+$0xA460] =	vst v15  }
0x22a: {  	[tilespmem:s1+$0xA800] =	vst v21;
	v15 =	vld.idx.msk [tilespmem:v6+s24+$0x0], $0xffff  }
0x22b: {  	[tilespmem:s1+$0xA810] =	vst v16;
	v16 =	vld.idx.msk [tilespmem:v13+s24+$0x0], $0xffff  }
0x22c: {  	[tilespmem:s1+$0xA820] =	vst v17;
	v17 =	vld.idx.msk [tilespmem:v7+s24+$0x0], $0xffff  }
0x22d: {  	[tilespmem:s1+$0xA830] =	vst v18;
	v18 =	vld.idx.msk [tilespmem:v5+s24+$0x0], $0xffff  }
0x22e: {  	[tilespmem:s1+$0xA840] =	vst v19;
	v19 =	vld.idx.msk [tilespmem:v3+s24+$0x0], $0xffff  }
0x22f: {  	[tilespmem:s1+$0xA850] =	vst v20;
	v20 =	vld.idx.msk [tilespmem:v2+s24+$0x0], $0xffff  }
0x230: {  	[tilespmem:s1+$0xA860] =	vst v15;
	v15 =	vld.idx.msk [tilespmem:v1+s24+$0x0], $0xffff  }
0x231: {  	[tilespmem:s1+$0xA870] =	vst v16;
	v16 =	vld.idx.msk [tilespmem:v4+s24+$0x0], $0xffff  }
0x232: {  	[tilespmem:s1+$0xAC00] =	vst v17;
	v17 =	vld.idx.msk [tilespmem:v0+s24+$0x0], $0xffff  }
0x233: {  	v21 =	vld.idx.msk [tilespmem:v8+s25+$0x0], $0xffff;
	[tilespmem:s1+$0xAC10] =	vst v18  }
0x234: {  	v18 =	vld.idx.msk [tilespmem:v9+s25+$0x0], $0xffff;
	[tilespmem:s1+$0xAC20] =	vst v19  }
0x235: {  	v19 =	vld.idx.msk [tilespmem:v10+s25+$0x0], $0xffff;
	[tilespmem:s1+$0xAC30] =	vst v20  }
0x236: {  	v20 =	vld.idx.msk [tilespmem:v11+s25+$0x0], $0xffff;
	[tilespmem:s1+$0xAC40] =	vst v15  }
0x237: {  	v15 =	vld.idx.msk [tilespmem:v12+s25+$0x0], $0xffff;
	[tilespmem:s1+$0xAC50] =	vst v16  }
0x238: {  	v16 =	vld.idx.msk [tilespmem:v14+s25+$0x0], $0xffff;
	[tilespmem:s1+$0xAC60] =	vst v17  }
0x239: {  	[tilespmem:s1+$0xB000] =	vst v21;
	v17 =	vld.idx.msk [tilespmem:v6+s25+$0x0], $0xffff  }
0x23a: {  	[tilespmem:s1+$0xB010] =	vst v18;
	v18 =	vld.idx.msk [tilespmem:v13+s25+$0x0], $0xffff  }
0x23b: {  	[tilespmem:s1+$0xB020] =	vst v19;
	v19 =	vld.idx.msk [tilespmem:v7+s25+$0x0], $0xffff  }
0x23c: {  	[tilespmem:s1+$0xB030] =	vst v20;
	v20 =	vld.idx.msk [tilespmem:v5+s25+$0x0], $0xffff  }
0x23d: {  	[tilespmem:s1+$0xB040] =	vst v15;
	v15 =	vld.idx.msk [tilespmem:v3+s25+$0x0], $0xffff  }
0x23e: {  	[tilespmem:s1+$0xB050] =	vst v16;
	v16 =	vld.idx.msk [tilespmem:v2+s25+$0x0], $0xffff  }
0x23f: {  	[tilespmem:s1+$0xB060] =	vst v17;
	v17 =	vld.idx.msk [tilespmem:v1+s25+$0x0], $0xffff  }
0x240: {  	[tilespmem:s1+$0xB070] =	vst v18;
	v18 =	vld.idx.msk [tilespmem:v4+s25+$0x0], $0xffff  }
0x241: {  	[tilespmem:s1+$0xB400] =	vst v19;
	v19 =	vld.idx.msk [tilespmem:v0+s25+$0x0], $0xffff  }
0x242: {  	v21 =	vld.idx.msk [tilespmem:v8+s26+$0x0], $0xffff;
	[tilespmem:s1+$0xB410] =	vst v20  }
0x243: {  	v20 =	vld.idx.msk [tilespmem:v9+s26+$0x0], $0xffff;
	[tilespmem:s1+$0xB420] =	vst v15  }
0x244: {  	v15 =	vld.idx.msk [tilespmem:v10+s26+$0x0], $0xffff;
	[tilespmem:s1+$0xB430] =	vst v16  }
0x245: {  	v16 =	vld.idx.msk [tilespmem:v11+s26+$0x0], $0xffff;
	[tilespmem:s1+$0xB440] =	vst v17  }
0x246: {  	v17 =	vld.idx.msk [tilespmem:v12+s26+$0x0], $0xffff;
	[tilespmem:s1+$0xB450] =	vst v18  }
0x247: {  	v18 =	vld.idx.msk [tilespmem:v14+s26+$0x0], $0xffff;
	[tilespmem:s1+$0xB460] =	vst v19  }
0x248: {  	[tilespmem:s1+$0xB800] =	vst v21;
	v19 =	vld.idx.msk [tilespmem:v6+s26+$0x0], $0xffff  }
0x249: {  	[tilespmem:s1+$0xB810] =	vst v20;
	v20 =	vld.idx.msk [tilespmem:v13+s26+$0x0], $0xffff  }
0x24a: {  	[tilespmem:s1+$0xB820] =	vst v15;
	v15 =	vld.idx.msk [tilespmem:v7+s26+$0x0], $0xffff  }
0x24b: {  	[tilespmem:s1+$0xB830] =	vst v16;
	v16 =	vld.idx.msk [tilespmem:v5+s26+$0x0], $0xffff  }
0x24c: {  	[tilespmem:s1+$0xB840] =	vst v17;
	v17 =	vld.idx.msk [tilespmem:v3+s26+$0x0], $0xffff  }
0x24d: {  	[tilespmem:s1+$0xB850] =	vst v18;
	v18 =	vld.idx.msk [tilespmem:v2+s26+$0x0], $0xffff  }
0x24e: {  	[tilespmem:s1+$0xB860] =	vst v19;
	v19 =	vld.idx.msk [tilespmem:v1+s26+$0x0], $0xffff  }
0x24f: {  	[tilespmem:s1+$0xB870] =	vst v20;
	v20 =	vld.idx.msk [tilespmem:v4+s26+$0x0], $0xffff  }
0x250: {  	[tilespmem:s1+$0xBC00] =	vst v15;
	v15 =	vld.idx.msk [tilespmem:v0+s26+$0x0], $0xffff  }
0x251: {  	v8 =	vld.idx.msk [tilespmem:v8+s28+$0x0], $0xffff;
	[tilespmem:s1+$0xBC10] =	vst v16  }
0x252: {  	v9 =	vld.idx.msk [tilespmem:v9+s28+$0x0], $0xffff;
	[tilespmem:s1+$0xBC20] =	vst v17  }
0x253: {  	v10 =	vld.idx.msk [tilespmem:v10+s28+$0x0], $0xffff;
	[tilespmem:s1+$0xBC30] =	vst v18  }
0x254: {  	v11 =	vld.idx.msk [tilespmem:v11+s28+$0x0], $0xffff;
	[tilespmem:s1+$0xBC40] =	vst v19  }
0x255: {  	v12 =	vld.idx.msk [tilespmem:v12+s28+$0x0], $0xffff;
	[tilespmem:s1+$0xBC50] =	vst v20  }
0x256: {  	v14 =	vld.idx.msk [tilespmem:v14+s28+$0x0], $0xffff;
	[tilespmem:s1+$0xBC60] =	vst v15  }
0x257: {  	[tilespmem:s1+$0xC000] =	vst v8;
	v8 =	vld.idx.msk [tilespmem:v6+s28+$0x0], $0xffff  }
0x258: {  	[tilespmem:s1+$0xC010] =	vst v9;
	v9 =	vld.idx.msk [tilespmem:v13+s28+$0x0], $0xffff  }
0x259: {  	[tilespmem:s1+$0xC020] =	vst v10;
	v7 =	vld.idx.msk [tilespmem:v7+s28+$0x0], $0xffff  }
.Ltmp1:
0x25a: {  	[tilespmem:s1+$0xC030] =	vst v11;
	v5 =	vld.idx.msk [tilespmem:v5+s28+$0x0], $0xffff;
	(pc) =	sbr.rel @p0 .LBB2_4-.Ltmp1, $4  }
0x25b: {  	[tilespmem:s1+$0xC040] =	vst v12;
	v6 =	vld.idx.msk [tilespmem:v3+s28+$0x0], $0xffff  }
0x25c: {  	[tilespmem:s1+$0xC050] =	vst v14;
	v3 =	vld.idx.msk [tilespmem:v2+s28+$0x0], $0xffff  }
0x25d: {  	[tilespmem:s1+$0xC060] =	vst v8;
	v1 =	vld.idx.msk [tilespmem:v1+s28+$0x0], $0xffff  }
0x25e: {  	s19 =	sadd.s32 $0x200, s19;
	[tilespmem:s1+$0xC070] =	vst v9;
	v2 =	vld.idx.msk [tilespmem:v4+s28+$0x0], $0xffff  }
0x25f: {  	_ =	sdelay $0x2  }
0x260: {  	[tilespmem:s1+$0xC400] =	vst v7  }
0x261: {  	v0 =	vld.idx.msk [tilespmem:v0+s28+$0x0], $0xffff;
	[tilespmem:s1+$0xC410] =	vst v5  }
0x262: {  	[tilespmem:s1+$0xC420] =	vst v6  }
0x263: {  	[tilespmem:s1+$0xC430] =	vst v3  }
0x264: {  	[tilespmem:s1+$0xC440] =	vst v1  }
0x265: {  	[tilespmem:s1+$0xC450] =	vst v2  }
0x266: {  	[tilespmem:s1+$0xC460] =	vst v0  }
0x267: {  	s0 =	sadd.s32 $0x1, s0;
	_ =	swait.ge [sflag:s29], $0x4000  }
0x268: {  	p0 =	sne.s32 s0, s7;
	[sflag:s29] =	ssyncset.done $0x0  }
.Ltmp2:
0x269: {  	s30 =	simm.s32 $0x8800;
	[sflag:s29] =	ssyncadd.s32 $0xFFFFC000;
	(pc) =	sbr.rel @p0 .LBB2_1-.Ltmp2, $4  }
0x26a: {  	[hbm4b:s6+s12] =	stream.strided.scatter [tilespmem:s30], [sflag:$0x4], $0x4000, s18, s12, $0x38;
	[tilespmem:$0xC800] =	vst v63  }
0x26b: {  	_ =	swait.ge [sflag:s31], $0x4000  }
0x26c: {  	[sflag:s31] =	ssyncset.done $0x0  }
0x26d: {  	[sflag:s31] =	ssyncadd.s32 $0xFFFFC000  }
0x26e: {  	_ =	sfence.sel $0x180000  }
0x26f: {  	[bflag:$0x0] =	sbarrier.arrive $0xFFFF  }
0x270: {  	_ =	strace $0x90000047  }
0x271: {  	s0 =	stileid.u32;
	[bflag:$0x2] =	sbarrier.arrive $0xFFFF  }
0x272: {  	p0 =	sne.s32 s0, $0x0;
	s0 =	rddreg [dreg:$0x3]  }
0x273: {  	s0 =	sadd.s32 @!p0 $0x100000, s0  }
0x274: {  	[sflag:s0] =	ssyncadd.tile.s32 @!p0 $0x1;
	_ =	shalt  }
.Lfunc_end2:
_tile_overlayer_lowered:
.L_overlay_start_2:
0x275: {  	(tag) =	ssettag $0x2  }
0x276: {  	s0 =	rddreg [dreg:$0x0];
	s2 =	stileid.u32  }
0x277: {  	s1 =	rddreg [dreg:$0x1];
	p0 =	sne.s32 s2, $0x0  }
0x278: {  	s3 =	rddreg [dreg:$0x2];
	[bflag:$0x3] =	sbarrier.arrive $0xFFFF;
	s2 =	simm.s32 @!p0 $0x1C04  }
0x279: {  	[timem:s3], [sflag:s2] =	dma.local @!p0 [hbm:s0], s1  }
0x27a: {  	s0 =	simm.s32 @!p0 $0x4  }
0x27b: {  	_ =	swait.ge @!p0 [sflag:s0], s1  }
0x27c: {  	s1 =	ssub.s32 @!p0 $0x0, s1;
	[sflag:s0] =	ssyncset.done @!p0 $0x0  }
0x27d: {  	[sflag:s0] =	ssyncadd.s32 @!p0 s1  }
0x27e: {  	[bflag:$0x3] =	sbarrier.arrive $0xFFFF  }
0x27f: {  	_ =	shalt  }

</sc_bundles>
